<compile_context>
chip_gen: v7x
topology: tpu7x:2x2x1
jax: 0.10.2.dev20260603
libtpu: 0.0.44.dev20260713+nightly
codegen_flags: <defaults>
</compile_context>

<pallas_src>
import functools

import jax
import jax.numpy as jnp
from jax import lax
from jax.experimental import pallas as pl
from jax.experimental.pallas import tpu as pltpu
from jax.experimental.pallas import tpu_sc as plsc

_STRIDE = 16.0
_POS_W = 2.0
_NEG_W = 1.0
_PAD_W = 0.2

_NC = 2
_NS = 16
_LN = 16


@functools.lru_cache(maxsize=None)
def _build_sc_call(B, L, FW):
    NW = _NC * _NS
    assert B % NW == 0 and (B // NW) % 2 == 0, (B, NW)
    RPW = B // NW
    mesh = plsc.VectorSubcoreMesh(
        core_axis_name="c", subcore_axis_name="s",
        num_cores=_NC, num_subcores=_NS)

    @functools.partial(
        pl.kernel,
        mesh=mesh,
        compiler_params=pltpu.CompilerParams(needs_layout_passes=False),
        out_type=(
            jax.ShapeDtypeStruct((B, FW), jnp.float32),
            jax.ShapeDtypeStruct((B, FW), jnp.float32),
            jax.ShapeDtypeStruct((B, 2, FW), jnp.float32),
        ),
        scratch_types=[
            pltpu.VMEM((2, L), jnp.float32),
            pltpu.VMEM((2, L), jnp.float32),
            pltpu.VMEM((RPW,), jnp.int32),
            pltpu.VMEM((L,), jnp.int32),
            pltpu.VMEM((L,), jnp.int32),
            pltpu.VMEM((FW,), jnp.float32),
            pltpu.VMEM((FW,), jnp.float32),
            pltpu.VMEM((FW,), jnp.float32),
            pltpu.VMEM((FW,), jnp.float32),
            pltpu.VMEM((2, FW), jnp.float32),
            pltpu.VMEM((2, FW), jnp.float32),
            pltpu.SemaphoreType.DMA,
            pltpu.SemaphoreType.DMA,
            pltpu.SemaphoreType.DMA,
            pltpu.SemaphoreType.DMA,
            pltpu.SemaphoreType.DMA,
            pltpu.SemaphoreType.DMA,
            pltpu.SemaphoreType.DMA,
            pltpu.SemaphoreType.DMA,
        ],
    )
    def sc_call(pos_hbm, rfw_hbm, cls_hbm, w_hbm, delta_hbm,
                pos_v0, pos_v1, rfw_v, ivl_v0, ivl_v1,
                cls_v0, cls_v1, w_v0, w_v1, dl_v0, dl_v1,
                sin0, sin1, sc0, sc1, sw0, sw1, sd0, sd1):
        pos_vs = (pos_v0, pos_v1)
        ivl_vs = (ivl_v0, ivl_v1)
        cls_vs = (cls_v0, cls_v1)
        w_vs = (w_v0, w_v1)
        dl_vs = (dl_v0, dl_v1)
        sem_in = (sin0, sin1)
        sem_cls = (sc0, sc1)
        sem_w = (sw0, sw1)
        sem_dl = (sd0, sd1)

        cid = lax.axis_index("c")
        sid = lax.axis_index("s")
        wid = sid * _NC + cid
        base = wid * RPW

        pltpu.make_async_copy(pos_hbm.at[base], pos_vs[0], sem_in[0]).start()
        pltpu.sync_copy(rfw_hbm.at[pl.ds(base, RPW)], rfw_v)

        iota = lax.iota(jnp.int32, _LN)
        iota_f = iota.astype(jnp.float32)
        zeros_i = jnp.zeros((_LN,), jnp.int32)
        ones_i = jnp.full((_LN,), 1, jnp.int32)
        zeros_f = jnp.zeros((_LN,), jnp.float32)
        ones_f = jnp.full((_LN,), 1.0, jnp.float32)
        pos_w = jnp.full((_LN,), _POS_W, jnp.float32)

        def pair_fn(rp, _):
            for p in (0, 1):
                r = 2 * rp + p
                b = base + r
                pos_v, cls_v, w_v, dl_v = pos_vs[p], cls_vs[p], w_vs[p], dl_vs[p]
                ivl_v = ivl_vs[p]

                @pl.when(r + 1 < RPW)
                def _prefetch():
                    pltpu.make_async_copy(
                        pos_hbm.at[b + 1], pos_vs[1 - p], sem_in[1 - p]).start()

                @pl.when(rp >= 1)
                def _drain():
                    pltpu.make_async_copy(cls_v, cls_hbm.at[b - 2], sem_cls[p]).wait()
                    pltpu.make_async_copy(w_v, w_hbm.at[b - 2], sem_w[p]).wait()
                    pltpu.make_async_copy(dl_v, delta_hbm.at[b - 2], sem_dl[p]).wait()

                rfw_b = plsc.load_gather(rfw_v, [jnp.full((_LN,), r, jnp.int32)])

                @pl.when(rp == 0)
                def _first_fill():
                    @plsc.parallel_loop(0, FW // _LN, unroll=8)
                    def _fill(c):
                        p0 = c * _LN
                        cls_v[pl.ds(p0, _LN)] = zeros_f
                        dval = jnp.float32(-0.5) - (p0 + iota_f)
                        dl_v[0, pl.ds(p0, _LN)] = dval
                        dl_v[1, pl.ds(p0, _LN)] = dval

                @pl.when(rp >= 1)
                def _undo():
                    @plsc.parallel_loop(0, L // _LN, unroll=4)
                    def _undo_loop(c):
                        l0 = c * _LN
                        old = ivl_v[pl.ds(l0, _LN)]
                        oldc = jnp.minimum(jnp.maximum(old, 0), FW - 1)
                        dval = jnp.float32(-0.5) - oldc.astype(jnp.float32)
                        plsc.store_scatter(cls_v, [oldc], zeros_f)
                        plsc.store_scatter(dl_v, [zeros_i, oldc], dval)
                        plsc.store_scatter(dl_v, [ones_i, oldc], dval)

                @plsc.parallel_loop(0, FW // _LN, unroll=8)
                def _wfill(c):
                    p0 = c * _LN
                    fvec = p0 + iota
                    w_v[pl.ds(p0, _LN)] = jnp.where(fvec <= rfw_b, _NEG_W, _PAD_W)

                pltpu.make_async_copy(pos_hbm.at[b], pos_v, sem_in[p]).wait()

                @plsc.parallel_loop(0, L // _LN, unroll=4)
                def _pass_a(c):
                    l0 = c * _LN
                    x1 = pos_v[0, pl.ds(l0, _LN)]
                    x2 = pos_v[1, pl.ds(l0, _LN)]
                    cs = (x1 + x2) * jnp.float32(0.5 / _STRIDE)
                    ivl = jnp.where(cs < 0.0, -1, cs.astype(jnp.int32))
                    ivl_v[pl.ds(l0, _LN)] = ivl

                @plsc.parallel_loop(0, L // _LN, unroll=4)
                def _pass_b(c):
                    l0 = c * _LN
                    li = l0 + iota
                    ivl = ivl_v[pl.ds(l0, _LN)]
                    prev = plsc.load_gather(ivl_v, [jnp.maximum(li - 1, 0)])
                    valid = ((ivl != prev) | (li == 0)) & (ivl >= 0) & (ivl < FW)
                    x1 = pos_v[0, pl.ds(l0, _LN)]
                    x2 = pos_v[1, pl.ds(l0, _LN)]
                    fvl = ivl.astype(jnp.float32) + 0.5
                    d0 = x1 * jnp.float32(1.0 / _STRIDE) - fvl
                    d1 = x2 * jnp.float32(1.0 / _STRIDE) - fvl
                    plsc.store_scatter(cls_v, [ivl], ones_f, mask=valid)
                    plsc.store_scatter(w_v, [ivl], pos_w, mask=valid)
                    plsc.store_scatter(dl_v, [zeros_i, ivl], d0, mask=valid)
                    plsc.store_scatter(dl_v, [ones_i, ivl], d1, mask=valid)

                pltpu.make_async_copy(cls_v, cls_hbm.at[b], sem_cls[p]).start()
                pltpu.make_async_copy(w_v, w_hbm.at[b], sem_w[p]).start()
                pltpu.make_async_copy(dl_v, delta_hbm.at[b], sem_dl[p]).start()
            return _
        lax.fori_loop(0, RPW // 2, pair_fn, None)

        for p in (0, 1):
            b_last = base + RPW - 2 + p
            pltpu.make_async_copy(cls_vs[p], cls_hbm.at[b_last], sem_cls[p]).wait()
            pltpu.make_async_copy(w_vs[p], w_hbm.at[b_last], sem_w[p]).wait()
            pltpu.make_async_copy(dl_vs[p], delta_hbm.at[b_last], sem_dl[p]).wait()

    return sc_call


def kernel(split_line_pos, feat_width, real_features_width):
    B, L, _ = split_line_pos.shape
    FW = 8192
    del feat_width
    rfw = real_features_width.astype(jnp.int32)
    pos_planes = split_line_pos.transpose(0, 2, 1)
    cls, w, delta_planes = _build_sc_call(B, L, FW)(pos_planes, rfw)
    return cls, w, delta_planes.transpose(0, 2, 1)

# --- scband reference (transcript-rebuilt; emitter-appended) ---
"""Pipeline reference for scband-segment-target-73607149519525 (READ-ONLY COPY).

The authoritative reference and input builder live on the scoring server;
editing this copy changes nothing except your own understanding.
"""

import jax, jax.numpy as jnp
import numpy as np

FEAT_STRIDE = 16.0
POS_WEIGHT = 2.0
NEG_WEIGHT = 1.0
PAD_WEIGHT = 0.2


def setup_inputs(seed: int = 0) -> dict:
    key = jax.random.key(seed)
    k1, k2 = jax.random.split(key)
    B, L, FW = 1024, 2048, 8192
    # line endpoints in pixel space [0, FW*stride); sort each column along the
    # line axis so centers are monotonically increasing per image (realistic
    # for scanned split-line proposals; also what the consecutive-dedup
    # logic in the module expects).
    pos = jax.random.uniform(k1, (B, L, 2), dtype=jnp.float32) * (FW * FEAT_STRIDE - FEAT_STRIDE)
    pos = jnp.sort(pos, axis=1)
    rfw = jax.random.randint(k2, (B,), 0, FW, dtype=jnp.int32)
    return {"split_line_pos": pos, "feat_width": FW, "real_features_width": rfw}


def reference(split_line_pos, feat_width, real_features_width):
    B, L, _ = split_line_pos.shape
    FW_STATIC = 8192
    x1 = split_line_pos[..., 0]
    x2 = split_line_pos[..., 1]
    center = (x1 + x2) * 0.5
    x_interval_num = jnp.floor(center / FEAT_STRIDE)
    first_col = jnp.full((B, 1), -1.0, dtype=x_interval_num.dtype)
    prev_interval_num = jnp.concatenate([first_col, x_interval_num[:, :-1]], axis=1)
    x_interval_num = jnp.where(x_interval_num == prev_interval_num, -1.0, x_interval_num)
    mask = x_interval_num >= 0.0
    # invalid entries get out-of-range index feat_width and are dropped by the scatter
    xi = jnp.where(mask, x_interval_num, jnp.asarray(feat_width, x_interval_num.dtype)).astype(jnp.int32)
    b_idx = jnp.broadcast_to(jnp.arange(B, dtype=jnp.int32)[:, None], (B, L))
    pre_cls_ids = jnp.ones((B, L), dtype=jnp.float32)
    interval_cls_ids = jnp.zeros((B, FW_STATIC), dtype=jnp.float32).at[b_idx, xi].add(pre_cls_ids, mode='drop')
    interval_split_line = jnp.zeros((B, FW_STATIC, 2), dtype=jnp.float32).at[b_idx, xi].add(split_line_pos, mode='drop')
    interval_center = (jnp.arange(FW_STATIC, dtype=jnp.float32) + 0.5) * FEAT_STRIDE
    interval_center = jnp.tile(interval_center[:, None], (1, 2))[None, ...]
    split_line_delta = (interval_split_line - interval_center) / FEAT_STRIDE
    feat_region = jnp.arange(FW_STATIC, dtype=jnp.int32)[None, :]
    rfw = real_features_width.astype(jnp.int32)[:, None]
    inside_weights = jnp.where(feat_region <= rfw, NEG_WEIGHT, PAD_WEIGHT).astype(jnp.float32)
    inside_weights = jnp.where(interval_cls_ids == 1.0, POS_WEIGHT, inside_weights)
    return (interval_cls_ids, inside_weights, split_line_delta)

if __name__ == "__main__":
    import jax
    _d = setup_inputs()
    print(jax.jit(kernel)(*tuple(_d.values())))

</pallas_src>

<mosaic_0001>
#map = affine_map<(d0, d1) -> (0, 0, 0)>
#map1 = affine_map<(d0, d1) -> (0)>
#map2 = affine_map<(d0, d1) -> (0, 0)>
module attributes {stable_mosaic.version = 14 : i64} {
  func.func @sc_call(%arg0: i32, %arg1: i32, %arg2: memref<1024x2x2048xf32, #tpu.memory_space<hbm>>, %arg3: memref<1024xi32, #tpu.memory_space<hbm>>, %arg4: memref<1024x8192xf32, #tpu.memory_space<hbm>>, %arg5: memref<1024x8192xf32, #tpu.memory_space<hbm>>, %arg6: memref<1024x2x8192xf32, #tpu.memory_space<hbm>>, %arg7: memref<2x2048xf32, #tpu.memory_space<vmem>>, %arg8: memref<2x2048xf32, #tpu.memory_space<vmem>>, %arg9: memref<32xi32, #tpu.memory_space<vmem>>, %arg10: memref<2048xi32, #tpu.memory_space<vmem>>, %arg11: memref<2048xi32, #tpu.memory_space<vmem>>, %arg12: memref<8192xf32, #tpu.memory_space<vmem>>, %arg13: memref<8192xf32, #tpu.memory_space<vmem>>, %arg14: memref<8192xf32, #tpu.memory_space<vmem>>, %arg15: memref<8192xf32, #tpu.memory_space<vmem>>, %arg16: memref<2x8192xf32, #tpu.memory_space<vmem>>, %arg17: memref<2x8192xf32, #tpu.memory_space<vmem>>, %arg18: memref<!tpu.dma_semaphore, #tpu.memory_space<semaphore_mem>>, %arg19: memref<!tpu.dma_semaphore, #tpu.memory_space<semaphore_mem>>, %arg20: memref<!tpu.dma_semaphore, #tpu.memory_space<semaphore_mem>>, %arg21: memref<!tpu.dma_semaphore, #tpu.memory_space<semaphore_mem>>, %arg22: memref<!tpu.dma_semaphore, #tpu.memory_space<semaphore_mem>>, %arg23: memref<!tpu.dma_semaphore, #tpu.memory_space<semaphore_mem>>, %arg24: memref<!tpu.dma_semaphore, #tpu.memory_space<semaphore_mem>>, %arg25: memref<!tpu.dma_semaphore, #tpu.memory_space<semaphore_mem>>) attributes {dimension_semantics = [#tpu.dimension_semantics<core_parallel>, #tpu.dimension_semantics<subcore_parallel>], iteration_bounds = array<i64: 2, 16>, scalar_prefetch = 0 : i64, scratch_operands = 19 : i64, tpu.core_type = #tpu.core_type<sc_vector_subcore>, window_params = [{transform_indices = #map}, {transform_indices = #map1}, {transform_indices = #map2}, {transform_indices = #map2}, {transform_indices = #map}]} {
    %mul3A = arith.constant 2 : i32
    %mul3A_0 = arith.muli %arg1, %mul3A : i32
    %add3A = arith.addi %mul3A_0, %arg0 : i32
    %mul3A_1 = arith.constant 32 : i32
    %mul3A_2 = arith.muli %add3A, %mul3A_1 : i32
    %dma_start3A = arith.constant 0 : i32
    %dma_start3A_3 = arith.constant 0 : i32
    %dma_start3A_4 = tpu.memref_slice %arg2[%mul3A_2, %dma_start3A, %dma_start3A_3] : memref<1024x2x2048xf32, #tpu.memory_space<hbm>> -> memref<1x2x2048xf32, #tpu.memory_space<hbm>>
    %dma_start3A_5 = tpu.memref_squeeze %dma_start3A_4 : memref<1x2x2048xf32, #tpu.memory_space<hbm>> -> memref<2x2048xf32, #tpu.memory_space<hbm>>
    %dma_start3A_6 = arith.constant 0 : i32
    %dma_start3A_7 = arith.constant 0 : i32
    %dma_start3A_8 = tpu.memref_slice %arg2[%mul3A_2, %dma_start3A_6, %dma_start3A_7] : memref<1024x2x2048xf32, #tpu.memory_space<hbm>> -> memref<1x2x2048xf32, #tpu.memory_space<hbm>>
    %dma_start3A_9 = tpu.memref_squeeze %dma_start3A_8 : memref<1x2x2048xf32, #tpu.memory_space<hbm>> -> memref<2x2048xf32, #tpu.memory_space<hbm>>
    tpu.enqueue_dma source(%dma_start3A_9 : memref<2x2048xf32, #tpu.memory_space<hbm>>) target(%arg7 : memref<2x2048xf32, #tpu.memory_space<vmem>>) target_semaphore(%arg18 : memref<!tpu.dma_semaphore, #tpu.memory_space<semaphore_mem>>)
    "tpu.region"() ({
      %run_scoped3A = tpu.sem_alloc : memref<!tpu.dma_semaphore, #tpu.memory_space<semaphore_mem>>
      %dma_start3A_73 = tpu.memref_slice %arg3[%mul3A_2] : memref<1024xi32, #tpu.memory_space<hbm>> -> memref<32xi32, #tpu.memory_space<hbm>>
      %dma_start3A_74 = tpu.memref_slice %arg3[%mul3A_2] : memref<1024xi32, #tpu.memory_space<hbm>> -> memref<32xi32, #tpu.memory_space<hbm>>
      tpu.enqueue_dma source(%dma_start3A_74 : memref<32xi32, #tpu.memory_space<hbm>>) target(%arg9 : memref<32xi32, #tpu.memory_space<vmem>>) target_semaphore(%run_scoped3A : memref<!tpu.dma_semaphore, #tpu.memory_space<semaphore_mem>>)
      %dma_wait3A_75 = tpu.memref_slice %arg3[%mul3A_2] : memref<1024xi32, #tpu.memory_space<hbm>> -> memref<32xi32, #tpu.memory_space<hbm>>
      %dma_wait3A_76 = tpu.memref_slice %arg3[%mul3A_2] : memref<1024xi32, #tpu.memory_space<hbm>> -> memref<32xi32, #tpu.memory_space<hbm>>
      tpu.wait_dma2 semaphore(%run_scoped3A : memref<!tpu.dma_semaphore, #tpu.memory_space<semaphore_mem>>) src(%dma_wait3A_76 : memref<32xi32, #tpu.memory_space<hbm>>) dst(%arg9 : memref<32xi32, #tpu.memory_space<vmem>>)
      tpu.yield
    }) : () -> ()
    %iota3A = tpu.iota {dimensions = array<i32: 0>} : vector<16xi32>
    %convert_element_type3A = arith.sitofp %iota3A : vector<16xi32> to vector<16xf32>
    %broadcast_in_dim3A = arith.constant 0 : i32
    %broadcast_in_dim3A_10 = vector.broadcast %broadcast_in_dim3A : i32 to vector<16xi32>
    %broadcast_in_dim3A_11 = arith.constant 1 : i32
    %broadcast_in_dim3A_12 = vector.broadcast %broadcast_in_dim3A_11 : i32 to vector<16xi32>
    %broadcast_in_dim3A_13 = arith.constant 0.000000e+00 : f32
    %broadcast_in_dim3A_14 = vector.broadcast %broadcast_in_dim3A_13 : f32 to vector<16xf32>
    %broadcast_in_dim3A_15 = arith.constant 1.000000e+00 : f32
    %broadcast_in_dim3A_16 = vector.broadcast %broadcast_in_dim3A_15 : f32 to vector<16xf32>
    %broadcast_in_dim3A_17 = arith.constant 2.000000e+00 : f32
    %broadcast_in_dim3A_18 = vector.broadcast %broadcast_in_dim3A_17 : f32 to vector<16xf32>
    %scan3A = arith.constant 0 : i32
    %scan3A_19 = arith.constant 16 : i32
    %scan3A_20 = arith.addi %scan3A, %scan3A_19 : i32
    %scan3A_21 = arith.constant 1 : i32
    scf.for %scan3A_73 = %scan3A to %scan3A_20 step %scan3A_21  : i32 {
      %mul3A_74 = arith.constant 2 : i32
      %mul3A_75 = arith.muli %mul3A_74, %scan3A_73 : i32
      %add3A_76 = arith.constant 0 : i32
      %add3A_77 = arith.addi %mul3A_75, %add3A_76 : i32
      %add3A_78 = arith.addi %mul3A_2, %add3A_77 : i32
      %add3A_79 = arith.constant 1 : i32
      %add3A_80 = arith.addi %add3A_77, %add3A_79 : i32
      %lt3A = arith.constant 32 : i32
      %lt3A_81 = arith.cmpi slt, %add3A_80, %lt3A : i32
      %convert_element_type3A_82 = arith.extui %lt3A_81 : i1 to i32
      %cond3A = arith.constant 0 : i32
      %cond3A_83 = arith.cmpi ne, %convert_element_type3A_82, %cond3A : i32
      scf.if %cond3A_83 {
        %add3A_200 = arith.constant 1 : i32
        %add3A_201 = arith.addi %add3A_78, %add3A_200 : i32
        %dma_start3A_202 = arith.constant 0 : i32
        %dma_start3A_203 = arith.constant 0 : i32
        %dma_start3A_204 = tpu.memref_slice %arg2[%add3A_201, %dma_start3A_202, %dma_start3A_203] : memref<1024x2x2048xf32, #tpu.memory_space<hbm>> -> memref<1x2x2048xf32, #tpu.memory_space<hbm>>
        %dma_start3A_205 = tpu.memref_squeeze %dma_start3A_204 : memref<1x2x2048xf32, #tpu.memory_space<hbm>> -> memref<2x2048xf32, #tpu.memory_space<hbm>>
        %dma_start3A_206 = arith.constant 0 : i32
        %dma_start3A_207 = arith.constant 0 : i32
        %dma_start3A_208 = tpu.memref_slice %arg2[%add3A_201, %dma_start3A_206, %dma_start3A_207] : memref<1024x2x2048xf32, #tpu.memory_space<hbm>> -> memref<1x2x2048xf32, #tpu.memory_space<hbm>>
        %dma_start3A_209 = tpu.memref_squeeze %dma_start3A_208 : memref<1x2x2048xf32, #tpu.memory_space<hbm>> -> memref<2x2048xf32, #tpu.memory_space<hbm>>
        tpu.enqueue_dma source(%dma_start3A_209 : memref<2x2048xf32, #tpu.memory_space<hbm>>) target(%arg8 : memref<2x2048xf32, #tpu.memory_space<vmem>>) target_semaphore(%arg19 : memref<!tpu.dma_semaphore, #tpu.memory_space<semaphore_mem>>)
      } else {
      }
      %ge3A = arith.constant 1 : i32
      %ge3A_84 = arith.cmpi sge, %scan3A_73, %ge3A : i32
      %convert_element_type3A_85 = arith.extui %ge3A_84 : i1 to i32
      %cond3A_86 = arith.constant 0 : i32
      %cond3A_87 = arith.cmpi ne, %convert_element_type3A_85, %cond3A_86 : i32
      scf.if %cond3A_87 {
        %sub3A_200 = arith.constant 2 : i32
        %sub3A_201 = arith.subi %add3A_78, %sub3A_200 : i32
        %dma_wait3A_202 = arith.constant 0 : i32
        %dma_wait3A_203 = tpu.memref_slice %arg4[%sub3A_201, %dma_wait3A_202] : memref<1024x8192xf32, #tpu.memory_space<hbm>> -> memref<1x8192xf32, #tpu.memory_space<hbm>>
        %dma_wait3A_204 = tpu.memref_squeeze %dma_wait3A_203 : memref<1x8192xf32, #tpu.memory_space<hbm>> -> memref<8192xf32, #tpu.memory_space<hbm>>
        %dma_wait3A_205 = arith.constant 0 : i32
        %dma_wait3A_206 = tpu.memref_slice %arg4[%sub3A_201, %dma_wait3A_205] : memref<1024x8192xf32, #tpu.memory_space<hbm>> -> memref<1x8192xf32, #tpu.memory_space<hbm>>
        %dma_wait3A_207 = tpu.memref_squeeze %dma_wait3A_206 : memref<1x8192xf32, #tpu.memory_space<hbm>> -> memref<8192xf32, #tpu.memory_space<hbm>>
        tpu.wait_dma2 semaphore(%arg20 : memref<!tpu.dma_semaphore, #tpu.memory_space<semaphore_mem>>) src(%arg12 : memref<8192xf32, #tpu.memory_space<vmem>>) dst(%dma_wait3A_207 : memref<8192xf32, #tpu.memory_space<hbm>>)
        %sub3A_208 = arith.constant 2 : i32
        %sub3A_209 = arith.subi %add3A_78, %sub3A_208 : i32
        %dma_wait3A_210 = arith.constant 0 : i32
        %dma_wait3A_211 = tpu.memref_slice %arg5[%sub3A_209, %dma_wait3A_210] : memref<1024x8192xf32, #tpu.memory_space<hbm>> -> memref<1x8192xf32, #tpu.memory_space<hbm>>
        %dma_wait3A_212 = tpu.memref_squeeze %dma_wait3A_211 : memref<1x8192xf32, #tpu.memory_space<hbm>> -> memref<8192xf32, #tpu.memory_space<hbm>>
        %dma_wait3A_213 = arith.constant 0 : i32
        %dma_wait3A_214 = tpu.memref_slice %arg5[%sub3A_209, %dma_wait3A_213] : memref<1024x8192xf32, #tpu.memory_space<hbm>> -> memref<1x8192xf32, #tpu.memory_space<hbm>>
        %dma_wait3A_215 = tpu.memref_squeeze %dma_wait3A_214 : memref<1x8192xf32, #tpu.memory_space<hbm>> -> memref<8192xf32, #tpu.memory_space<hbm>>
        tpu.wait_dma2 semaphore(%arg22 : memref<!tpu.dma_semaphore, #tpu.memory_space<semaphore_mem>>) src(%arg14 : memref<8192xf32, #tpu.memory_space<vmem>>) dst(%dma_wait3A_215 : memref<8192xf32, #tpu.memory_space<hbm>>)
        %sub3A_216 = arith.constant 2 : i32
        %sub3A_217 = arith.subi %add3A_78, %sub3A_216 : i32
        %dma_wait3A_218 = arith.constant 0 : i32
        %dma_wait3A_219 = arith.constant 0 : i32
        %dma_wait3A_220 = tpu.memref_slice %arg6[%sub3A_217, %dma_wait3A_218, %dma_wait3A_219] : memref<1024x2x8192xf32, #tpu.memory_space<hbm>> -> memref<1x2x8192xf32, #tpu.memory_space<hbm>>
        %dma_wait3A_221 = tpu.memref_squeeze %dma_wait3A_220 : memref<1x2x8192xf32, #tpu.memory_space<hbm>> -> memref<2x8192xf32, #tpu.memory_space<hbm>>
        %dma_wait3A_222 = arith.constant 0 : i32
        %dma_wait3A_223 = arith.constant 0 : i32
        %dma_wait3A_224 = tpu.memref_slice %arg6[%sub3A_217, %dma_wait3A_222, %dma_wait3A_223] : memref<1024x2x8192xf32, #tpu.memory_space<hbm>> -> memref<1x2x8192xf32, #tpu.memory_space<hbm>>
        %dma_wait3A_225 = tpu.memref_squeeze %dma_wait3A_224 : memref<1x2x8192xf32, #tpu.memory_space<hbm>> -> memref<2x8192xf32, #tpu.memory_space<hbm>>
        tpu.wait_dma2 semaphore(%arg24 : memref<!tpu.dma_semaphore, #tpu.memory_space<semaphore_mem>>) src(%arg16 : memref<2x8192xf32, #tpu.memory_space<vmem>>) dst(%dma_wait3A_225 : memref<2x8192xf32, #tpu.memory_space<hbm>>)
      } else {
      }
      %broadcast_in_dim3A_88 = vector.broadcast %add3A_77 : i32 to vector<16xi32>
      %gather3A = tpu.vector_load_idx %arg9[%broadcast_in_dim3A_88] : memref<32xi32, #tpu.memory_space<vmem>>[vector<16xi32>], vector<16xi32>,
      %eq3A = arith.constant 0 : i32
      %eq3A_89 = arith.cmpi eq, %scan3A_73, %eq3A : i32
      %convert_element_type3A_90 = arith.extui %eq3A_89 : i1 to i32
      %cond3A_91 = arith.constant 0 : i32
      %cond3A_92 = arith.cmpi ne, %convert_element_type3A_90, %cond3A_91 : i32
      scf.if %cond3A_92 {
        %parallel_loop3A_200 = arith.constant 0 : i32
        %parallel_loop3A_201 = arith.constant 512 : i32
        %parallel_loop3A_202 = arith.constant 1 : i32
        scf.for %parallel_loop3A_203 = %parallel_loop3A_200 to %parallel_loop3A_201 step %parallel_loop3A_202  : i32 {
          %parallel_loop3A_204 = arith.constant 16 : i32
          %parallel_loop3A_205 = arith.muli %parallel_loop3A_203, %parallel_loop3A_204 : i32
          %parallel_loop3A_206 = arith.index_cast %parallel_loop3A_205 : i32 to index
          %parallel_loop3A_207 = tpu.vector_load %arg12[%parallel_loop3A_206] {strides = array<i32>} : memref<8192xf32, #tpu.memory_space<vmem>>, vector<16xf32>,
          tpu.vector_store %arg12[%parallel_loop3A_206], %broadcast_in_dim3A_14 {strides = array<i32>} : memref<8192xf32, #tpu.memory_space<vmem>>, vector<16xf32>,
          %parallel_loop3A_208 = arith.sitofp %parallel_loop3A_205 : i32 to f32
          %parallel_loop3A_209 = vector.broadcast %parallel_loop3A_208 : f32 to vector<16xf32>
          %parallel_loop3A_210 = arith.addf %parallel_loop3A_209, %convert_element_type3A : vector<16xf32>
          %parallel_loop3A_211 = arith.constant -5.000000e-01 : f32
          %parallel_loop3A_212 = vector.broadcast %parallel_loop3A_211 : f32 to vector<16xf32>
          %parallel_loop3A_213 = arith.subf %parallel_loop3A_212, %parallel_loop3A_210 : vector<16xf32>
          %parallel_loop3A_214 = arith.constant 0 : i32
          %parallel_loop3A_215 = arith.index_cast %parallel_loop3A_214 : i32 to index
          %parallel_loop3A_216 = arith.index_cast %parallel_loop3A_205 : i32 to index
          %parallel_loop3A_217 = tpu.vector_load %arg16[%parallel_loop3A_215, %parallel_loop3A_216] {strides = array<i32>} : memref<2x8192xf32, #tpu.memory_space<vmem>>, vector<16xf32>,
          tpu.vector_store %arg16[%parallel_loop3A_215, %parallel_loop3A_216], %parallel_loop3A_213 {strides = array<i32>} : memref<2x8192xf32, #tpu.memory_space<vmem>>, vector<16xf32>,
          %parallel_loop3A_218 = arith.constant 1 : i32
          %parallel_loop3A_219 = arith.index_cast %parallel_loop3A_218 : i32 to index
          %parallel_loop3A_220 = arith.index_cast %parallel_loop3A_205 : i32 to index
          %parallel_loop3A_221 = tpu.vector_load %arg16[%parallel_loop3A_219, %parallel_loop3A_220] {strides = array<i32>} : memref<2x8192xf32, #tpu.memory_space<vmem>>, vector<16xf32>,
          tpu.vector_store %arg16[%parallel_loop3A_219, %parallel_loop3A_220], %parallel_loop3A_213 {strides = array<i32>} : memref<2x8192xf32, #tpu.memory_space<vmem>>, vector<16xf32>,
        } {sc.loop_unroll_factor = 8 : i64, sc.parallel_access}
      } else {
      }
      %ge3A_93 = arith.constant 1 : i32
      %ge3A_94 = arith.cmpi sge, %scan3A_73, %ge3A_93 : i32
      %convert_element_type3A_95 = arith.extui %ge3A_94 : i1 to i32
      %cond3A_96 = arith.constant 0 : i32
      %cond3A_97 = arith.cmpi ne, %convert_element_type3A_95, %cond3A_96 : i32
      scf.if %cond3A_97 {
        %parallel_loop3A_200 = arith.constant 0 : i32
        %parallel_loop3A_201 = arith.constant 128 : i32
        %parallel_loop3A_202 = arith.constant 1 : i32
        scf.for %parallel_loop3A_203 = %parallel_loop3A_200 to %parallel_loop3A_201 step %parallel_loop3A_202  : i32 {
          %parallel_loop3A_204 = arith.constant 16 : i32
          %parallel_loop3A_205 = arith.muli %parallel_loop3A_203, %parallel_loop3A_204 : i32
          %parallel_loop3A_206 = arith.index_cast %parallel_loop3A_205 : i32 to index
          %parallel_loop3A_207 = tpu.vector_load %arg10[%parallel_loop3A_206] {strides = array<i32>} : memref<2048xi32, #tpu.memory_space<vmem>>, vector<16xi32>,
          %parallel_loop3A_208 = arith.constant 0 : i32
          %parallel_loop3A_209 = vector.broadcast %parallel_loop3A_208 : i32 to vector<16xi32>
          %parallel_loop3A_210 = arith.maxsi %parallel_loop3A_207, %parallel_loop3A_209 : vector<16xi32>
          %parallel_loop3A_211 = arith.constant 8191 : i32
          %parallel_loop3A_212 = vector.broadcast %parallel_loop3A_211 : i32 to vector<16xi32>
          %parallel_loop3A_213 = arith.minsi %parallel_loop3A_210, %parallel_loop3A_212 : vector<16xi32>
          %parallel_loop3A_214 = arith.sitofp %parallel_loop3A_213 : vector<16xi32> to vector<16xf32>
          %parallel_loop3A_215 = arith.constant -5.000000e-01 : f32
          %parallel_loop3A_216 = vector.broadcast %parallel_loop3A_215 : f32 to vector<16xf32>
          %parallel_loop3A_217 = arith.subf %parallel_loop3A_216, %parallel_loop3A_214 : vector<16xf32>
          tpu.vector_store_idx %arg12[%parallel_loop3A_213], %broadcast_in_dim3A_14 : memref<8192xf32, #tpu.memory_space<vmem>>[vector<16xi32>], vector<16xf32>,
          tpu.vector_store_idx %arg16[%broadcast_in_dim3A_10, %parallel_loop3A_213], %parallel_loop3A_217 : memref<2x8192xf32, #tpu.memory_space<vmem>>[vector<16xi32>, vector<16xi32>], vector<16xf32>,
          tpu.vector_store_idx %arg16[%broadcast_in_dim3A_12, %parallel_loop3A_213], %parallel_loop3A_217 : memref<2x8192xf32, #tpu.memory_space<vmem>>[vector<16xi32>, vector<16xi32>], vector<16xf32>,
        } {sc.loop_unroll_factor = 4 : i64, sc.parallel_access}
      } else {
      }
      %parallel_loop3A = arith.constant 0 : i32
      %parallel_loop3A_98 = arith.constant 512 : i32
      %parallel_loop3A_99 = arith.constant 1 : i32
      scf.for %parallel_loop3A_200 = %parallel_loop3A to %parallel_loop3A_98 step %parallel_loop3A_99  : i32 {
        %parallel_loop3A_201 = arith.constant 16 : i32
        %parallel_loop3A_202 = arith.muli %parallel_loop3A_200, %parallel_loop3A_201 : i32
        %parallel_loop3A_203 = vector.broadcast %parallel_loop3A_202 : i32 to vector<16xi32>
        %parallel_loop3A_204 = arith.addi %parallel_loop3A_203, %iota3A : vector<16xi32>
        %parallel_loop3A_205 = arith.cmpi sle, %parallel_loop3A_204, %gather3A : vector<16xi32>
        %parallel_loop3A_206 = arith.constant 1.000000e+00 : f32
        %parallel_loop3A_207 = arith.constant 2.000000e-01 : f32
        %parallel_loop3A_208 = vector.broadcast %parallel_loop3A_206 : f32 to vector<16xf32>
        %parallel_loop3A_209 = vector.broadcast %parallel_loop3A_207 : f32 to vector<16xf32>
        %parallel_loop3A_210 = arith.select %parallel_loop3A_205, %parallel_loop3A_208, %parallel_loop3A_209 : vector<16xi1>, vector<16xf32>
        %parallel_loop3A_211 = arith.index_cast %parallel_loop3A_202 : i32 to index
        %parallel_loop3A_212 = tpu.vector_load %arg14[%parallel_loop3A_211] {strides = array<i32>} : memref<8192xf32, #tpu.memory_space<vmem>>, vector<16xf32>,
        tpu.vector_store %arg14[%parallel_loop3A_211], %parallel_loop3A_210 {strides = array<i32>} : memref<8192xf32, #tpu.memory_space<vmem>>, vector<16xf32>,
      } {sc.loop_unroll_factor = 8 : i64, sc.parallel_access}
      %dma_wait3A_100 = arith.constant 0 : i32
      %dma_wait3A_101 = arith.constant 0 : i32
      %dma_wait3A_102 = tpu.memref_slice %arg2[%add3A_78, %dma_wait3A_100, %dma_wait3A_101] : memref<1024x2x2048xf32, #tpu.memory_space<hbm>> -> memref<1x2x2048xf32, #tpu.memory_space<hbm>>
      %dma_wait3A_103 = tpu.memref_squeeze %dma_wait3A_102 : memref<1x2x2048xf32, #tpu.memory_space<hbm>> -> memref<2x2048xf32, #tpu.memory_space<hbm>>
      %dma_wait3A_104 = arith.constant 0 : i32
      %dma_wait3A_105 = arith.constant 0 : i32
      %dma_wait3A_106 = tpu.memref_slice %arg2[%add3A_78, %dma_wait3A_104, %dma_wait3A_105] : memref<1024x2x2048xf32, #tpu.memory_space<hbm>> -> memref<1x2x2048xf32, #tpu.memory_space<hbm>>
      %dma_wait3A_107 = tpu.memref_squeeze %dma_wait3A_106 : memref<1x2x2048xf32, #tpu.memory_space<hbm>> -> memref<2x2048xf32, #tpu.memory_space<hbm>>
      tpu.wait_dma2 semaphore(%arg18 : memref<!tpu.dma_semaphore, #tpu.memory_space<semaphore_mem>>) src(%dma_wait3A_107 : memref<2x2048xf32, #tpu.memory_space<hbm>>) dst(%arg7 : memref<2x2048xf32, #tpu.memory_space<vmem>>)
      %parallel_loop3A_108 = arith.constant 0 : i32
      %parallel_loop3A_109 = arith.constant 128 : i32
      %parallel_loop3A_110 = arith.constant 1 : i32
      scf.for %parallel_loop3A_200 = %parallel_loop3A_108 to %parallel_loop3A_109 step %parallel_loop3A_110  : i32 {
        %parallel_loop3A_201 = arith.constant 16 : i32
        %parallel_loop3A_202 = arith.muli %parallel_loop3A_200, %parallel_loop3A_201 : i32
        %parallel_loop3A_203 = arith.constant 0 : i32
        %parallel_loop3A_204 = arith.index_cast %parallel_loop3A_203 : i32 to index
        %parallel_loop3A_205 = arith.index_cast %parallel_loop3A_202 : i32 to index
        %parallel_loop3A_206 = tpu.vector_load %arg7[%parallel_loop3A_204, %parallel_loop3A_205] {strides = array<i32>} : memref<2x2048xf32, #tpu.memory_space<vmem>>, vector<16xf32>,
        %parallel_loop3A_207 = arith.constant 1 : i32
        %parallel_loop3A_208 = arith.index_cast %parallel_loop3A_207 : i32 to index
        %parallel_loop3A_209 = arith.index_cast %parallel_loop3A_202 : i32 to index
        %parallel_loop3A_210 = tpu.vector_load %arg7[%parallel_loop3A_208, %parallel_loop3A_209] {strides = array<i32>} : memref<2x2048xf32, #tpu.memory_space<vmem>>, vector<16xf32>,
        %parallel_loop3A_211 = arith.addf %parallel_loop3A_206, %parallel_loop3A_210 : vector<16xf32>
        %parallel_loop3A_212 = arith.constant 3.125000e-02 : f32
        %parallel_loop3A_213 = vector.broadcast %parallel_loop3A_212 : f32 to vector<16xf32>
        %parallel_loop3A_214 = arith.mulf %parallel_loop3A_211, %parallel_loop3A_213 : vector<16xf32>
        %parallel_loop3A_215 = arith.constant 0.000000e+00 : f32
        %parallel_loop3A_216 = vector.broadcast %parallel_loop3A_215 : f32 to vector<16xf32>
        %parallel_loop3A_217 = arith.cmpf olt, %parallel_loop3A_214, %parallel_loop3A_216 : vector<16xf32>
        %parallel_loop3A_218 = arith.fptosi %parallel_loop3A_214 : vector<16xf32> to vector<16xi32>
        %parallel_loop3A_219 = arith.constant -1 : i32
        %parallel_loop3A_220 = vector.broadcast %parallel_loop3A_219 : i32 to vector<16xi32>
        %parallel_loop3A_221 = arith.select %parallel_loop3A_217, %parallel_loop3A_220, %parallel_loop3A_218 : vector<16xi1>, vector<16xi32>
        %parallel_loop3A_222 = arith.index_cast %parallel_loop3A_202 : i32 to index
        %parallel_loop3A_223 = tpu.vector_load %arg10[%parallel_loop3A_222] {strides = array<i32>} : memref<2048xi32, #tpu.memory_space<vmem>>, vector<16xi32>,
        tpu.vector_store %arg10[%parallel_loop3A_222], %parallel_loop3A_221 {strides = array<i32>} : memref<2048xi32, #tpu.memory_space<vmem>>, vector<16xi32>,
      } {sc.loop_unroll_factor = 4 : i64, sc.parallel_access}
      %parallel_loop3A_111 = arith.constant 0 : i32
      %parallel_loop3A_112 = arith.constant 128 : i32
      %parallel_loop3A_113 = arith.constant 1 : i32
      scf.for %parallel_loop3A_200 = %parallel_loop3A_111 to %parallel_loop3A_112 step %parallel_loop3A_113  : i32 {
        %parallel_loop3A_201 = arith.constant 16 : i32
        %parallel_loop3A_202 = arith.muli %parallel_loop3A_200, %parallel_loop3A_201 : i32
        %parallel_loop3A_203 = vector.broadcast %parallel_loop3A_202 : i32 to vector<16xi32>
        %parallel_loop3A_204 = arith.addi %parallel_loop3A_203, %iota3A : vector<16xi32>
        %parallel_loop3A_205 = arith.index_cast %parallel_loop3A_202 : i32 to index
        %parallel_loop3A_206 = tpu.vector_load %arg10[%parallel_loop3A_205] {strides = array<i32>} : memref<2048xi32, #tpu.memory_space<vmem>>, vector<16xi32>,
        %parallel_loop3A_207 = arith.constant 1 : i32
        %parallel_loop3A_208 = vector.broadcast %parallel_loop3A_207 : i32 to vector<16xi32>
        %parallel_loop3A_209 = arith.subi %parallel_loop3A_204, %parallel_loop3A_208 : vector<16xi32>
        %parallel_loop3A_210 = arith.constant 0 : i32
        %parallel_loop3A_211 = vector.broadcast %parallel_loop3A_210 : i32 to vector<16xi32>
        %parallel_loop3A_212 = arith.maxsi %parallel_loop3A_209, %parallel_loop3A_211 : vector<16xi32>
        %parallel_loop3A_213 = tpu.vector_load_idx %arg10[%parallel_loop3A_212] : memref<2048xi32, #tpu.memory_space<vmem>>[vector<16xi32>], vector<16xi32>,
        %parallel_loop3A_214 = arith.cmpi ne, %parallel_loop3A_206, %parallel_loop3A_213 : vector<16xi32>
        %parallel_loop3A_215 = arith.constant 0 : i32
        %parallel_loop3A_216 = vector.broadcast %parallel_loop3A_215 : i32 to vector<16xi32>
        %parallel_loop3A_217 = arith.cmpi eq, %parallel_loop3A_204, %parallel_loop3A_216 : vector<16xi32>
        %parallel_loop3A_218 = arith.ori %parallel_loop3A_214, %parallel_loop3A_217 : vector<16xi1>
        %parallel_loop3A_219 = arith.constant 0 : i32
        %parallel_loop3A_220 = vector.broadcast %parallel_loop3A_219 : i32 to vector<16xi32>
        %parallel_loop3A_221 = arith.cmpi sge, %parallel_loop3A_206, %parallel_loop3A_220 : vector<16xi32>
        %parallel_loop3A_222 = arith.andi %parallel_loop3A_218, %parallel_loop3A_221 : vector<16xi1>
        %parallel_loop3A_223 = arith.constant 8192 : i32
        %parallel_loop3A_224 = vector.broadcast %parallel_loop3A_223 : i32 to vector<16xi32>
        %parallel_loop3A_225 = arith.cmpi slt, %parallel_loop3A_206, %parallel_loop3A_224 : vector<16xi32>
        %parallel_loop3A_226 = arith.andi %parallel_loop3A_222, %parallel_loop3A_225 : vector<16xi1>
        %parallel_loop3A_227 = arith.constant 0 : i32
        %parallel_loop3A_228 = arith.index_cast %parallel_loop3A_227 : i32 to index
        %parallel_loop3A_229 = arith.index_cast %parallel_loop3A_202 : i32 to index
        %parallel_loop3A_230 = tpu.vector_load %arg7[%parallel_loop3A_228, %parallel_loop3A_229] {strides = array<i32>} : memref<2x2048xf32, #tpu.memory_space<vmem>>, vector<16xf32>,
        %parallel_loop3A_231 = arith.constant 1 : i32
        %parallel_loop3A_232 = arith.index_cast %parallel_loop3A_231 : i32 to index
        %parallel_loop3A_233 = arith.index_cast %parallel_loop3A_202 : i32 to index
        %parallel_loop3A_234 = tpu.vector_load %arg7[%parallel_loop3A_232, %parallel_loop3A_233] {strides = array<i32>} : memref<2x2048xf32, #tpu.memory_space<vmem>>, vector<16xf32>,
        %parallel_loop3A_235 = arith.sitofp %parallel_loop3A_206 : vector<16xi32> to vector<16xf32>
        %parallel_loop3A_236 = arith.constant 5.000000e-01 : f32
        %parallel_loop3A_237 = vector.broadcast %parallel_loop3A_236 : f32 to vector<16xf32>
        %parallel_loop3A_238 = arith.addf %parallel_loop3A_235, %parallel_loop3A_237 : vector<16xf32>
        %parallel_loop3A_239 = arith.constant 6.250000e-02 : f32
        %parallel_loop3A_240 = vector.broadcast %parallel_loop3A_239 : f32 to vector<16xf32>
        %parallel_loop3A_241 = arith.mulf %parallel_loop3A_230, %parallel_loop3A_240 : vector<16xf32>
        %parallel_loop3A_242 = arith.subf %parallel_loop3A_241, %parallel_loop3A_238 : vector<16xf32>
        %parallel_loop3A_243 = arith.constant 6.250000e-02 : f32
        %parallel_loop3A_244 = vector.broadcast %parallel_loop3A_243 : f32 to vector<16xf32>
        %parallel_loop3A_245 = arith.mulf %parallel_loop3A_234, %parallel_loop3A_244 : vector<16xf32>
        %parallel_loop3A_246 = arith.subf %parallel_loop3A_245, %parallel_loop3A_238 : vector<16xf32>
        tpu.vector_store_idx %arg12[%parallel_loop3A_206], %broadcast_in_dim3A_16 masked %parallel_loop3A_226 : memref<8192xf32, #tpu.memory_space<vmem>>[vector<16xi32>], vector<16xf32>, vector<16xi1>
        tpu.vector_store_idx %arg14[%parallel_loop3A_206], %broadcast_in_dim3A_18 masked %parallel_loop3A_226 : memref<8192xf32, #tpu.memory_space<vmem>>[vector<16xi32>], vector<16xf32>, vector<16xi1>
        tpu.vector_store_idx %arg16[%broadcast_in_dim3A_10, %parallel_loop3A_206], %parallel_loop3A_242 masked %parallel_loop3A_226 : memref<2x8192xf32, #tpu.memory_space<vmem>>[vector<16xi32>, vector<16xi32>], vector<16xf32>, vector<16xi1>
        tpu.vector_store_idx %arg16[%broadcast_in_dim3A_12, %parallel_loop3A_206], %parallel_loop3A_246 masked %parallel_loop3A_226 : memref<2x8192xf32, #tpu.memory_space<vmem>>[vector<16xi32>, vector<16xi32>], vector<16xf32>, vector<16xi1>
      } {sc.loop_unroll_factor = 4 : i64, sc.parallel_access}
      %dma_start3A_114 = arith.constant 0 : i32
      %dma_start3A_115 = tpu.memref_slice %arg4[%add3A_78, %dma_start3A_114] : memref<1024x8192xf32, #tpu.memory_space<hbm>> -> memref<1x8192xf32, #tpu.memory_space<hbm>>
      %dma_start3A_116 = tpu.memref_squeeze %dma_start3A_115 : memref<1x8192xf32, #tpu.memory_space<hbm>> -> memref<8192xf32, #tpu.memory_space<hbm>>
      %dma_start3A_117 = arith.constant 0 : i32
      %dma_start3A_118 = tpu.memref_slice %arg4[%add3A_78, %dma_start3A_117] : memref<1024x8192xf32, #tpu.memory_space<hbm>> -> memref<1x8192xf32, #tpu.memory_space<hbm>>
      %dma_start3A_119 = tpu.memref_squeeze %dma_start3A_118 : memref<1x8192xf32, #tpu.memory_space<hbm>> -> memref<8192xf32, #tpu.memory_space<hbm>>
      tpu.enqueue_dma source(%arg12 : memref<8192xf32, #tpu.memory_space<vmem>>) target(%dma_start3A_119 : memref<8192xf32, #tpu.memory_space<hbm>>) target_semaphore(%arg20 : memref<!tpu.dma_semaphore, #tpu.memory_space<semaphore_mem>>)
      %dma_start3A_120 = arith.constant 0 : i32
      %dma_start3A_121 = tpu.memref_slice %arg5[%add3A_78, %dma_start3A_120] : memref<1024x8192xf32, #tpu.memory_space<hbm>> -> memref<1x8192xf32, #tpu.memory_space<hbm>>
      %dma_start3A_122 = tpu.memref_squeeze %dma_start3A_121 : memref<1x8192xf32, #tpu.memory_space<hbm>> -> memref<8192xf32, #tpu.memory_space<hbm>>
      %dma_start3A_123 = arith.constant 0 : i32
      %dma_start3A_124 = tpu.memref_slice %arg5[%add3A_78, %dma_start3A_123] : memref<1024x8192xf32, #tpu.memory_space<hbm>> -> memref<1x8192xf32, #tpu.memory_space<hbm>>
      %dma_start3A_125 = tpu.memref_squeeze %dma_start3A_124 : memref<1x8192xf32, #tpu.memory_space<hbm>> -> memref<8192xf32, #tpu.memory_space<hbm>>
      tpu.enqueue_dma source(%arg14 : memref<8192xf32, #tpu.memory_space<vmem>>) target(%dma_start3A_125 : memref<8192xf32, #tpu.memory_space<hbm>>) target_semaphore(%arg22 : memref<!tpu.dma_semaphore, #tpu.memory_space<semaphore_mem>>)
      %dma_start3A_126 = arith.constant 0 : i32
      %dma_start3A_127 = arith.constant 0 : i32
      %dma_start3A_128 = tpu.memref_slice %arg6[%add3A_78, %dma_start3A_126, %dma_start3A_127] : memref<1024x2x8192xf32, #tpu.memory_space<hbm>> -> memref<1x2x8192xf32, #tpu.memory_space<hbm>>
      %dma_start3A_129 = tpu.memref_squeeze %dma_start3A_128 : memref<1x2x8192xf32, #tpu.memory_space<hbm>> -> memref<2x8192xf32, #tpu.memory_space<hbm>>
      %dma_start3A_130 = arith.constant 0 : i32
      %dma_start3A_131 = arith.constant 0 : i32
      %dma_start3A_132 = tpu.memref_slice %arg6[%add3A_78, %dma_start3A_130, %dma_start3A_131] : memref<1024x2x8192xf32, #tpu.memory_space<hbm>> -> memref<1x2x8192xf32, #tpu.memory_space<hbm>>
      %dma_start3A_133 = tpu.memref_squeeze %dma_start3A_132 : memref<1x2x8192xf32, #tpu.memory_space<hbm>> -> memref<2x8192xf32, #tpu.memory_space<hbm>>
      tpu.enqueue_dma source(%arg16 : memref<2x8192xf32, #tpu.memory_space<vmem>>) target(%dma_start3A_133 : memref<2x8192xf32, #tpu.memory_space<hbm>>) target_semaphore(%arg24 : memref<!tpu.dma_semaphore, #tpu.memory_space<semaphore_mem>>)
      %mul3A_134 = arith.constant 2 : i32
      %mul3A_135 = arith.muli %mul3A_134, %scan3A_73 : i32
      %add3A_136 = arith.constant 1 : i32
      %add3A_137 = arith.addi %mul3A_135, %add3A_136 : i32
      %add3A_138 = arith.addi %mul3A_2, %add3A_137 : i32
      %add3A_139 = arith.constant 1 : i32
      %add3A_140 = arith.addi %add3A_137, %add3A_139 : i32
      %lt3A_141 = arith.constant 32 : i32
      %lt3A_142 = arith.cmpi slt, %add3A_140, %lt3A_141 : i32
      %convert_element_type3A_143 = arith.extui %lt3A_142 : i1 to i32
      %cond3A_144 = arith.constant 0 : i32
      %cond3A_145 = arith.cmpi ne, %convert_element_type3A_143, %cond3A_144 : i32
      scf.if %cond3A_145 {
        %add3A_200 = arith.constant 1 : i32
        %add3A_201 = arith.addi %add3A_138, %add3A_200 : i32
        %dma_start3A_202 = arith.constant 0 : i32
        %dma_start3A_203 = arith.constant 0 : i32
        %dma_start3A_204 = tpu.memref_slice %arg2[%add3A_201, %dma_start3A_202, %dma_start3A_203] : memref<1024x2x2048xf32, #tpu.memory_space<hbm>> -> memref<1x2x2048xf32, #tpu.memory_space<hbm>>
        %dma_start3A_205 = tpu.memref_squeeze %dma_start3A_204 : memref<1x2x2048xf32, #tpu.memory_space<hbm>> -> memref<2x2048xf32, #tpu.memory_space<hbm>>
        %dma_start3A_206 = arith.constant 0 : i32
        %dma_start3A_207 = arith.constant 0 : i32
        %dma_start3A_208 = tpu.memref_slice %arg2[%add3A_201, %dma_start3A_206, %dma_start3A_207] : memref<1024x2x2048xf32, #tpu.memory_space<hbm>> -> memref<1x2x2048xf32, #tpu.memory_space<hbm>>
        %dma_start3A_209 = tpu.memref_squeeze %dma_start3A_208 : memref<1x2x2048xf32, #tpu.memory_space<hbm>> -> memref<2x2048xf32, #tpu.memory_space<hbm>>
        tpu.enqueue_dma source(%dma_start3A_209 : memref<2x2048xf32, #tpu.memory_space<hbm>>) target(%arg7 : memref<2x2048xf32, #tpu.memory_space<vmem>>) target_semaphore(%arg18 : memref<!tpu.dma_semaphore, #tpu.memory_space<semaphore_mem>>)
      } else {
      }
      %ge3A_146 = arith.constant 1 : i32
      %ge3A_147 = arith.cmpi sge, %scan3A_73, %ge3A_146 : i32
      %convert_element_type3A_148 = arith.extui %ge3A_147 : i1 to i32
      %cond3A_149 = arith.constant 0 : i32
      %cond3A_150 = arith.cmpi ne, %convert_element_type3A_148, %cond3A_149 : i32
      scf.if %cond3A_150 {
        %sub3A_200 = arith.constant 2 : i32
        %sub3A_201 = arith.subi %add3A_138, %sub3A_200 : i32
        %dma_wait3A_202 = arith.constant 0 : i32
        %dma_wait3A_203 = tpu.memref_slice %arg4[%sub3A_201, %dma_wait3A_202] : memref<1024x8192xf32, #tpu.memory_space<hbm>> -> memref<1x8192xf32, #tpu.memory_space<hbm>>
        %dma_wait3A_204 = tpu.memref_squeeze %dma_wait3A_203 : memref<1x8192xf32, #tpu.memory_space<hbm>> -> memref<8192xf32, #tpu.memory_space<hbm>>
        %dma_wait3A_205 = arith.constant 0 : i32
        %dma_wait3A_206 = tpu.memref_slice %arg4[%sub3A_201, %dma_wait3A_205] : memref<1024x8192xf32, #tpu.memory_space<hbm>> -> memref<1x8192xf32, #tpu.memory_space<hbm>>
        %dma_wait3A_207 = tpu.memref_squeeze %dma_wait3A_206 : memref<1x8192xf32, #tpu.memory_space<hbm>> -> memref<8192xf32, #tpu.memory_space<hbm>>
        tpu.wait_dma2 semaphore(%arg21 : memref<!tpu.dma_semaphore, #tpu.memory_space<semaphore_mem>>) src(%arg13 : memref<8192xf32, #tpu.memory_space<vmem>>) dst(%dma_wait3A_207 : memref<8192xf32, #tpu.memory_space<hbm>>)
        %sub3A_208 = arith.constant 2 : i32
        %sub3A_209 = arith.subi %add3A_138, %sub3A_208 : i32
        %dma_wait3A_210 = arith.constant 0 : i32
        %dma_wait3A_211 = tpu.memref_slice %arg5[%sub3A_209, %dma_wait3A_210] : memref<1024x8192xf32, #tpu.memory_space<hbm>> -> memref<1x8192xf32, #tpu.memory_space<hbm>>
        %dma_wait3A_212 = tpu.memref_squeeze %dma_wait3A_211 : memref<1x8192xf32, #tpu.memory_space<hbm>> -> memref<8192xf32, #tpu.memory_space<hbm>>
        %dma_wait3A_213 = arith.constant 0 : i32
        %dma_wait3A_214 = tpu.memref_slice %arg5[%sub3A_209, %dma_wait3A_213] : memref<1024x8192xf32, #tpu.memory_space<hbm>> -> memref<1x8192xf32, #tpu.memory_space<hbm>>
        %dma_wait3A_215 = tpu.memref_squeeze %dma_wait3A_214 : memref<1x8192xf32, #tpu.memory_space<hbm>> -> memref<8192xf32, #tpu.memory_space<hbm>>
        tpu.wait_dma2 semaphore(%arg23 : memref<!tpu.dma_semaphore, #tpu.memory_space<semaphore_mem>>) src(%arg15 : memref<8192xf32, #tpu.memory_space<vmem>>) dst(%dma_wait3A_215 : memref<8192xf32, #tpu.memory_space<hbm>>)
        %sub3A_216 = arith.constant 2 : i32
        %sub3A_217 = arith.subi %add3A_138, %sub3A_216 : i32
        %dma_wait3A_218 = arith.constant 0 : i32
        %dma_wait3A_219 = arith.constant 0 : i32
        %dma_wait3A_220 = tpu.memref_slice %arg6[%sub3A_217, %dma_wait3A_218, %dma_wait3A_219] : memref<1024x2x8192xf32, #tpu.memory_space<hbm>> -> memref<1x2x8192xf32, #tpu.memory_space<hbm>>
        %dma_wait3A_221 = tpu.memref_squeeze %dma_wait3A_220 : memref<1x2x8192xf32, #tpu.memory_space<hbm>> -> memref<2x8192xf32, #tpu.memory_space<hbm>>
        %dma_wait3A_222 = arith.constant 0 : i32
        %dma_wait3A_223 = arith.constant 0 : i32
        %dma_wait3A_224 = tpu.memref_slice %arg6[%sub3A_217, %dma_wait3A_222, %dma_wait3A_223] : memref<1024x2x8192xf32, #tpu.memory_space<hbm>> -> memref<1x2x8192xf32, #tpu.memory_space<hbm>>
        %dma_wait3A_225 = tpu.memref_squeeze %dma_wait3A_224 : memref<1x2x8192xf32, #tpu.memory_space<hbm>> -> memref<2x8192xf32, #tpu.memory_space<hbm>>
        tpu.wait_dma2 semaphore(%arg25 : memref<!tpu.dma_semaphore, #tpu.memory_space<semaphore_mem>>) src(%arg17 : memref<2x8192xf32, #tpu.memory_space<vmem>>) dst(%dma_wait3A_225 : memref<2x8192xf32, #tpu.memory_space<hbm>>)
      } else {
      }
      %broadcast_in_dim3A_151 = vector.broadcast %add3A_137 : i32 to vector<16xi32>
      %gather3A_152 = tpu.vector_load_idx %arg9[%broadcast_in_dim3A_151] : memref<32xi32, #tpu.memory_space<vmem>>[vector<16xi32>], vector<16xi32>,
      %eq3A_153 = arith.constant 0 : i32
      %eq3A_154 = arith.cmpi eq, %scan3A_73, %eq3A_153 : i32
      %convert_element_type3A_155 = arith.extui %eq3A_154 : i1 to i32
      %cond3A_156 = arith.constant 0 : i32
      %cond3A_157 = arith.cmpi ne, %convert_element_type3A_155, %cond3A_156 : i32
      scf.if %cond3A_157 {
        %parallel_loop3A_200 = arith.constant 0 : i32
        %parallel_loop3A_201 = arith.constant 512 : i32
        %parallel_loop3A_202 = arith.constant 1 : i32
        scf.for %parallel_loop3A_203 = %parallel_loop3A_200 to %parallel_loop3A_201 step %parallel_loop3A_202  : i32 {
          %parallel_loop3A_204 = arith.constant 16 : i32
          %parallel_loop3A_205 = arith.muli %parallel_loop3A_203, %parallel_loop3A_204 : i32
          %parallel_loop3A_206 = arith.index_cast %parallel_loop3A_205 : i32 to index
          %parallel_loop3A_207 = tpu.vector_load %arg13[%parallel_loop3A_206] {strides = array<i32>} : memref<8192xf32, #tpu.memory_space<vmem>>, vector<16xf32>,
          tpu.vector_store %arg13[%parallel_loop3A_206], %broadcast_in_dim3A_14 {strides = array<i32>} : memref<8192xf32, #tpu.memory_space<vmem>>, vector<16xf32>,
          %parallel_loop3A_208 = arith.sitofp %parallel_loop3A_205 : i32 to f32
          %parallel_loop3A_209 = vector.broadcast %parallel_loop3A_208 : f32 to vector<16xf32>
          %parallel_loop3A_210 = arith.addf %parallel_loop3A_209, %convert_element_type3A : vector<16xf32>
          %parallel_loop3A_211 = arith.constant -5.000000e-01 : f32
          %parallel_loop3A_212 = vector.broadcast %parallel_loop3A_211 : f32 to vector<16xf32>
          %parallel_loop3A_213 = arith.subf %parallel_loop3A_212, %parallel_loop3A_210 : vector<16xf32>
          %parallel_loop3A_214 = arith.constant 0 : i32
          %parallel_loop3A_215 = arith.index_cast %parallel_loop3A_214 : i32 to index
          %parallel_loop3A_216 = arith.index_cast %parallel_loop3A_205 : i32 to index
          %parallel_loop3A_217 = tpu.vector_load %arg17[%parallel_loop3A_215, %parallel_loop3A_216] {strides = array<i32>} : memref<2x8192xf32, #tpu.memory_space<vmem>>, vector<16xf32>,
          tpu.vector_store %arg17[%parallel_loop3A_215, %parallel_loop3A_216], %parallel_loop3A_213 {strides = array<i32>} : memref<2x8192xf32, #tpu.memory_space<vmem>>, vector<16xf32>,
          %parallel_loop3A_218 = arith.constant 1 : i32
          %parallel_loop3A_219 = arith.index_cast %parallel_loop3A_218 : i32 to index
          %parallel_loop3A_220 = arith.index_cast %parallel_loop3A_205 : i32 to index
          %parallel_loop3A_221 = tpu.vector_load %arg17[%parallel_loop3A_219, %parallel_loop3A_220] {strides = array<i32>} : memref<2x8192xf32, #tpu.memory_space<vmem>>, vector<16xf32>,
          tpu.vector_store %arg17[%parallel_loop3A_219, %parallel_loop3A_220], %parallel_loop3A_213 {strides = array<i32>} : memref<2x8192xf32, #tpu.memory_space<vmem>>, vector<16xf32>,
        } {sc.loop_unroll_factor = 8 : i64, sc.parallel_access}
      } else {
      }
      %ge3A_158 = arith.constant 1 : i32
      %ge3A_159 = arith.cmpi sge, %scan3A_73, %ge3A_158 : i32
      %convert_element_type3A_160 = arith.extui %ge3A_159 : i1 to i32
      %cond3A_161 = arith.constant 0 : i32
      %cond3A_162 = arith.cmpi ne, %convert_element_type3A_160, %cond3A_161 : i32
      scf.if %cond3A_162 {
        %parallel_loop3A_200 = arith.constant 0 : i32
        %parallel_loop3A_201 = arith.constant 128 : i32
        %parallel_loop3A_202 = arith.constant 1 : i32
        scf.for %parallel_loop3A_203 = %parallel_loop3A_200 to %parallel_loop3A_201 step %parallel_loop3A_202  : i32 {
          %parallel_loop3A_204 = arith.constant 16 : i32
          %parallel_loop3A_205 = arith.muli %parallel_loop3A_203, %parallel_loop3A_204 : i32
          %parallel_loop3A_206 = arith.index_cast %parallel_loop3A_205 : i32 to index
          %parallel_loop3A_207 = tpu.vector_load %arg11[%parallel_loop3A_206] {strides = array<i32>} : memref<2048xi32, #tpu.memory_space<vmem>>, vector<16xi32>,
          %parallel_loop3A_208 = arith.constant 0 : i32
          %parallel_loop3A_209 = vector.broadcast %parallel_loop3A_208 : i32 to vector<16xi32>
          %parallel_loop3A_210 = arith.maxsi %parallel_loop3A_207, %parallel_loop3A_209 : vector<16xi32>
          %parallel_loop3A_211 = arith.constant 8191 : i32
          %parallel_loop3A_212 = vector.broadcast %parallel_loop3A_211 : i32 to vector<16xi32>
          %parallel_loop3A_213 = arith.minsi %parallel_loop3A_210, %parallel_loop3A_212 : vector<16xi32>
          %parallel_loop3A_214 = arith.sitofp %parallel_loop3A_213 : vector<16xi32> to vector<16xf32>
          %parallel_loop3A_215 = arith.constant -5.000000e-01 : f32
          %parallel_loop3A_216 = vector.broadcast %parallel_loop3A_215 : f32 to vector<16xf32>
          %parallel_loop3A_217 = arith.subf %parallel_loop3A_216, %parallel_loop3A_214 : vector<16xf32>
          tpu.vector_store_idx %arg13[%parallel_loop3A_213], %broadcast_in_dim3A_14 : memref<8192xf32, #tpu.memory_space<vmem>>[vector<16xi32>], vector<16xf32>,
          tpu.vector_store_idx %arg17[%broadcast_in_dim3A_10, %parallel_loop3A_213], %parallel_loop3A_217 : memref<2x8192xf32, #tpu.memory_space<vmem>>[vector<16xi32>, vector<16xi32>], vector<16xf32>,
          tpu.vector_store_idx %arg17[%broadcast_in_dim3A_12, %parallel_loop3A_213], %parallel_loop3A_217 : memref<2x8192xf32, #tpu.memory_space<vmem>>[vector<16xi32>, vector<16xi32>], vector<16xf32>,
        } {sc.loop_unroll_factor = 4 : i64, sc.parallel_access}
      } else {
      }
      %parallel_loop3A_163 = arith.constant 0 : i32
      %parallel_loop3A_164 = arith.constant 512 : i32
      %parallel_loop3A_165 = arith.constant 1 : i32
      scf.for %parallel_loop3A_200 = %parallel_loop3A_163 to %parallel_loop3A_164 step %parallel_loop3A_165  : i32 {
        %parallel_loop3A_201 = arith.constant 16 : i32
        %parallel_loop3A_202 = arith.muli %parallel_loop3A_200, %parallel_loop3A_201 : i32
        %parallel_loop3A_203 = vector.broadcast %parallel_loop3A_202 : i32 to vector<16xi32>
        %parallel_loop3A_204 = arith.addi %parallel_loop3A_203, %iota3A : vector<16xi32>
        %parallel_loop3A_205 = arith.cmpi sle, %parallel_loop3A_204, %gather3A_152 : vector<16xi32>
        %parallel_loop3A_206 = arith.constant 1.000000e+00 : f32
        %parallel_loop3A_207 = arith.constant 2.000000e-01 : f32
        %parallel_loop3A_208 = vector.broadcast %parallel_loop3A_206 : f32 to vector<16xf32>
        %parallel_loop3A_209 = vector.broadcast %parallel_loop3A_207 : f32 to vector<16xf32>
        %parallel_loop3A_210 = arith.select %parallel_loop3A_205, %parallel_loop3A_208, %parallel_loop3A_209 : vector<16xi1>, vector<16xf32>
        %parallel_loop3A_211 = arith.index_cast %parallel_loop3A_202 : i32 to index
        %parallel_loop3A_212 = tpu.vector_load %arg15[%parallel_loop3A_211] {strides = array<i32>} : memref<8192xf32, #tpu.memory_space<vmem>>, vector<16xf32>,
        tpu.vector_store %arg15[%parallel_loop3A_211], %parallel_loop3A_210 {strides = array<i32>} : memref<8192xf32, #tpu.memory_space<vmem>>, vector<16xf32>,
      } {sc.loop_unroll_factor = 8 : i64, sc.parallel_access}
      %dma_wait3A_166 = arith.constant 0 : i32
      %dma_wait3A_167 = arith.constant 0 : i32
      %dma_wait3A_168 = tpu.memref_slice %arg2[%add3A_138, %dma_wait3A_166, %dma_wait3A_167] : memref<1024x2x2048xf32, #tpu.memory_space<hbm>> -> memref<1x2x2048xf32, #tpu.memory_space<hbm>>
      %dma_wait3A_169 = tpu.memref_squeeze %dma_wait3A_168 : memref<1x2x2048xf32, #tpu.memory_space<hbm>> -> memref<2x2048xf32, #tpu.memory_space<hbm>>
      %dma_wait3A_170 = arith.constant 0 : i32
      %dma_wait3A_171 = arith.constant 0 : i32
      %dma_wait3A_172 = tpu.memref_slice %arg2[%add3A_138, %dma_wait3A_170, %dma_wait3A_171] : memref<1024x2x2048xf32, #tpu.memory_space<hbm>> -> memref<1x2x2048xf32, #tpu.memory_space<hbm>>
      %dma_wait3A_173 = tpu.memref_squeeze %dma_wait3A_172 : memref<1x2x2048xf32, #tpu.memory_space<hbm>> -> memref<2x2048xf32, #tpu.memory_space<hbm>>
      tpu.wait_dma2 semaphore(%arg19 : memref<!tpu.dma_semaphore, #tpu.memory_space<semaphore_mem>>) src(%dma_wait3A_173 : memref<2x2048xf32, #tpu.memory_space<hbm>>) dst(%arg8 : memref<2x2048xf32, #tpu.memory_space<vmem>>)
      %parallel_loop3A_174 = arith.constant 0 : i32
      %parallel_loop3A_175 = arith.constant 128 : i32
      %parallel_loop3A_176 = arith.constant 1 : i32
      scf.for %parallel_loop3A_200 = %parallel_loop3A_174 to %parallel_loop3A_175 step %parallel_loop3A_176  : i32 {
        %parallel_loop3A_201 = arith.constant 16 : i32
        %parallel_loop3A_202 = arith.muli %parallel_loop3A_200, %parallel_loop3A_201 : i32
        %parallel_loop3A_203 = arith.constant 0 : i32
        %parallel_loop3A_204 = arith.index_cast %parallel_loop3A_203 : i32 to index
        %parallel_loop3A_205 = arith.index_cast %parallel_loop3A_202 : i32 to index
        %parallel_loop3A_206 = tpu.vector_load %arg8[%parallel_loop3A_204, %parallel_loop3A_205] {strides = array<i32>} : memref<2x2048xf32, #tpu.memory_space<vmem>>, vector<16xf32>,
        %parallel_loop3A_207 = arith.constant 1 : i32
        %parallel_loop3A_208 = arith.index_cast %parallel_loop3A_207 : i32 to index
        %parallel_loop3A_209 = arith.index_cast %parallel_loop3A_202 : i32 to index
        %parallel_loop3A_210 = tpu.vector_load %arg8[%parallel_loop3A_208, %parallel_loop3A_209] {strides = array<i32>} : memref<2x2048xf32, #tpu.memory_space<vmem>>, vector<16xf32>,
        %parallel_loop3A_211 = arith.addf %parallel_loop3A_206, %parallel_loop3A_210 : vector<16xf32>
        %parallel_loop3A_212 = arith.constant 3.125000e-02 : f32
        %parallel_loop3A_213 = vector.broadcast %parallel_loop3A_212 : f32 to vector<16xf32>
        %parallel_loop3A_214 = arith.mulf %parallel_loop3A_211, %parallel_loop3A_213 : vector<16xf32>
        %parallel_loop3A_215 = arith.constant 0.000000e+00 : f32
        %parallel_loop3A_216 = vector.broadcast %parallel_loop3A_215 : f32 to vector<16xf32>
        %parallel_loop3A_217 = arith.cmpf olt, %parallel_loop3A_214, %parallel_loop3A_216 : vector<16xf32>
        %parallel_loop3A_218 = arith.fptosi %parallel_loop3A_214 : vector<16xf32> to vector<16xi32>
        %parallel_loop3A_219 = arith.constant -1 : i32
        %parallel_loop3A_220 = vector.broadcast %parallel_loop3A_219 : i32 to vector<16xi32>
        %parallel_loop3A_221 = arith.select %parallel_loop3A_217, %parallel_loop3A_220, %parallel_loop3A_218 : vector<16xi1>, vector<16xi32>
        %parallel_loop3A_222 = arith.index_cast %parallel_loop3A_202 : i32 to index
        %parallel_loop3A_223 = tpu.vector_load %arg11[%parallel_loop3A_222] {strides = array<i32>} : memref<2048xi32, #tpu.memory_space<vmem>>, vector<16xi32>,
        tpu.vector_store %arg11[%parallel_loop3A_222], %parallel_loop3A_221 {strides = array<i32>} : memref<2048xi32, #tpu.memory_space<vmem>>, vector<16xi32>,
      } {sc.loop_unroll_factor = 4 : i64, sc.parallel_access}
      %parallel_loop3A_177 = arith.constant 0 : i32
      %parallel_loop3A_178 = arith.constant 128 : i32
      %parallel_loop3A_179 = arith.constant 1 : i32
      scf.for %parallel_loop3A_200 = %parallel_loop3A_177 to %parallel_loop3A_178 step %parallel_loop3A_179  : i32 {
        %parallel_loop3A_201 = arith.constant 16 : i32
        %parallel_loop3A_202 = arith.muli %parallel_loop3A_200, %parallel_loop3A_201 : i32
        %parallel_loop3A_203 = vector.broadcast %parallel_loop3A_202 : i32 to vector<16xi32>
        %parallel_loop3A_204 = arith.addi %parallel_loop3A_203, %iota3A : vector<16xi32>
        %parallel_loop3A_205 = arith.index_cast %parallel_loop3A_202 : i32 to index
        %parallel_loop3A_206 = tpu.vector_load %arg11[%parallel_loop3A_205] {strides = array<i32>} : memref<2048xi32, #tpu.memory_space<vmem>>, vector<16xi32>,
        %parallel_loop3A_207 = arith.constant 1 : i32
        %parallel_loop3A_208 = vector.broadcast %parallel_loop3A_207 : i32 to vector<16xi32>
        %parallel_loop3A_209 = arith.subi %parallel_loop3A_204, %parallel_loop3A_208 : vector<16xi32>
        %parallel_loop3A_210 = arith.constant 0 : i32
        %parallel_loop3A_211 = vector.broadcast %parallel_loop3A_210 : i32 to vector<16xi32>
        %parallel_loop3A_212 = arith.maxsi %parallel_loop3A_209, %parallel_loop3A_211 : vector<16xi32>
        %parallel_loop3A_213 = tpu.vector_load_idx %arg11[%parallel_loop3A_212] : memref<2048xi32, #tpu.memory_space<vmem>>[vector<16xi32>], vector<16xi32>,
        %parallel_loop3A_214 = arith.cmpi ne, %parallel_loop3A_206, %parallel_loop3A_213 : vector<16xi32>
        %parallel_loop3A_215 = arith.constant 0 : i32
        %parallel_loop3A_216 = vector.broadcast %parallel_loop3A_215 : i32 to vector<16xi32>
        %parallel_loop3A_217 = arith.cmpi eq, %parallel_loop3A_204, %parallel_loop3A_216 : vector<16xi32>
        %parallel_loop3A_218 = arith.ori %parallel_loop3A_214, %parallel_loop3A_217 : vector<16xi1>
        %parallel_loop3A_219 = arith.constant 0 : i32
        %parallel_loop3A_220 = vector.broadcast %parallel_loop3A_219 : i32 to vector<16xi32>
        %parallel_loop3A_221 = arith.cmpi sge, %parallel_loop3A_206, %parallel_loop3A_220 : vector<16xi32>
        %parallel_loop3A_222 = arith.andi %parallel_loop3A_218, %parallel_loop3A_221 : vector<16xi1>
        %parallel_loop3A_223 = arith.constant 8192 : i32
        %parallel_loop3A_224 = vector.broadcast %parallel_loop3A_223 : i32 to vector<16xi32>
        %parallel_loop3A_225 = arith.cmpi slt, %parallel_loop3A_206, %parallel_loop3A_224 : vector<16xi32>
        %parallel_loop3A_226 = arith.andi %parallel_loop3A_222, %parallel_loop3A_225 : vector<16xi1>
        %parallel_loop3A_227 = arith.constant 0 : i32
        %parallel_loop3A_228 = arith.index_cast %parallel_loop3A_227 : i32 to index
        %parallel_loop3A_229 = arith.index_cast %parallel_loop3A_202 : i32 to index
        %parallel_loop3A_230 = tpu.vector_load %arg8[%parallel_loop3A_228, %parallel_loop3A_229] {strides = array<i32>} : memref<2x2048xf32, #tpu.memory_space<vmem>>, vector<16xf32>,
        %parallel_loop3A_231 = arith.constant 1 : i32
        %parallel_loop3A_232 = arith.index_cast %parallel_loop3A_231 : i32 to index
        %parallel_loop3A_233 = arith.index_cast %parallel_loop3A_202 : i32 to index
        %parallel_loop3A_234 = tpu.vector_load %arg8[%parallel_loop3A_232, %parallel_loop3A_233] {strides = array<i32>} : memref<2x2048xf32, #tpu.memory_space<vmem>>, vector<16xf32>,
        %parallel_loop3A_235 = arith.sitofp %parallel_loop3A_206 : vector<16xi32> to vector<16xf32>
        %parallel_loop3A_236 = arith.constant 5.000000e-01 : f32
        %parallel_loop3A_237 = vector.broadcast %parallel_loop3A_236 : f32 to vector<16xf32>
        %parallel_loop3A_238 = arith.addf %parallel_loop3A_235, %parallel_loop3A_237 : vector<16xf32>
        %parallel_loop3A_239 = arith.constant 6.250000e-02 : f32
        %parallel_loop3A_240 = vector.broadcast %parallel_loop3A_239 : f32 to vector<16xf32>
        %parallel_loop3A_241 = arith.mulf %parallel_loop3A_230, %parallel_loop3A_240 : vector<16xf32>
        %parallel_loop3A_242 = arith.subf %parallel_loop3A_241, %parallel_loop3A_238 : vector<16xf32>
        %parallel_loop3A_243 = arith.constant 6.250000e-02 : f32
        %parallel_loop3A_244 = vector.broadcast %parallel_loop3A_243 : f32 to vector<16xf32>
        %parallel_loop3A_245 = arith.mulf %parallel_loop3A_234, %parallel_loop3A_244 : vector<16xf32>
        %parallel_loop3A_246 = arith.subf %parallel_loop3A_245, %parallel_loop3A_238 : vector<16xf32>
        tpu.vector_store_idx %arg13[%parallel_loop3A_206], %broadcast_in_dim3A_16 masked %parallel_loop3A_226 : memref<8192xf32, #tpu.memory_space<vmem>>[vector<16xi32>], vector<16xf32>, vector<16xi1>
        tpu.vector_store_idx %arg15[%parallel_loop3A_206], %broadcast_in_dim3A_18 masked %parallel_loop3A_226 : memref<8192xf32, #tpu.memory_space<vmem>>[vector<16xi32>], vector<16xf32>, vector<16xi1>
        tpu.vector_store_idx %arg17[%broadcast_in_dim3A_10, %parallel_loop3A_206], %parallel_loop3A_242 masked %parallel_loop3A_226 : memref<2x8192xf32, #tpu.memory_space<vmem>>[vector<16xi32>, vector<16xi32>], vector<16xf32>, vector<16xi1>
        tpu.vector_store_idx %arg17[%broadcast_in_dim3A_12, %parallel_loop3A_206], %parallel_loop3A_246 masked %parallel_loop3A_226 : memref<2x8192xf32, #tpu.memory_space<vmem>>[vector<16xi32>, vector<16xi32>], vector<16xf32>, vector<16xi1>
      } {sc.loop_unroll_factor = 4 : i64, sc.parallel_access}
      %dma_start3A_180 = arith.constant 0 : i32
      %dma_start3A_181 = tpu.memref_slice %arg4[%add3A_138, %dma_start3A_180] : memref<1024x8192xf32, #tpu.memory_space<hbm>> -> memref<1x8192xf32, #tpu.memory_space<hbm>>
      %dma_start3A_182 = tpu.memref_squeeze %dma_start3A_181 : memref<1x8192xf32, #tpu.memory_space<hbm>> -> memref<8192xf32, #tpu.memory_space<hbm>>
      %dma_start3A_183 = arith.constant 0 : i32
      %dma_start3A_184 = tpu.memref_slice %arg4[%add3A_138, %dma_start3A_183] : memref<1024x8192xf32, #tpu.memory_space<hbm>> -> memref<1x8192xf32, #tpu.memory_space<hbm>>
      %dma_start3A_185 = tpu.memref_squeeze %dma_start3A_184 : memref<1x8192xf32, #tpu.memory_space<hbm>> -> memref<8192xf32, #tpu.memory_space<hbm>>
      tpu.enqueue_dma source(%arg13 : memref<8192xf32, #tpu.memory_space<vmem>>) target(%dma_start3A_185 : memref<8192xf32, #tpu.memory_space<hbm>>) target_semaphore(%arg21 : memref<!tpu.dma_semaphore, #tpu.memory_space<semaphore_mem>>)
      %dma_start3A_186 = arith.constant 0 : i32
      %dma_start3A_187 = tpu.memref_slice %arg5[%add3A_138, %dma_start3A_186] : memref<1024x8192xf32, #tpu.memory_space<hbm>> -> memref<1x8192xf32, #tpu.memory_space<hbm>>
      %dma_start3A_188 = tpu.memref_squeeze %dma_start3A_187 : memref<1x8192xf32, #tpu.memory_space<hbm>> -> memref<8192xf32, #tpu.memory_space<hbm>>
      %dma_start3A_189 = arith.constant 0 : i32
      %dma_start3A_190 = tpu.memref_slice %arg5[%add3A_138, %dma_start3A_189] : memref<1024x8192xf32, #tpu.memory_space<hbm>> -> memref<1x8192xf32, #tpu.memory_space<hbm>>
      %dma_start3A_191 = tpu.memref_squeeze %dma_start3A_190 : memref<1x8192xf32, #tpu.memory_space<hbm>> -> memref<8192xf32, #tpu.memory_space<hbm>>
      tpu.enqueue_dma source(%arg15 : memref<8192xf32, #tpu.memory_space<vmem>>) target(%dma_start3A_191 : memref<8192xf32, #tpu.memory_space<hbm>>) target_semaphore(%arg23 : memref<!tpu.dma_semaphore, #tpu.memory_space<semaphore_mem>>)
      %dma_start3A_192 = arith.constant 0 : i32
      %dma_start3A_193 = arith.constant 0 : i32
      %dma_start3A_194 = tpu.memref_slice %arg6[%add3A_138, %dma_start3A_192, %dma_start3A_193] : memref<1024x2x8192xf32, #tpu.memory_space<hbm>> -> memref<1x2x8192xf32, #tpu.memory_space<hbm>>
      %dma_start3A_195 = tpu.memref_squeeze %dma_start3A_194 : memref<1x2x8192xf32, #tpu.memory_space<hbm>> -> memref<2x8192xf32, #tpu.memory_space<hbm>>
      %dma_start3A_196 = arith.constant 0 : i32
      %dma_start3A_197 = arith.constant 0 : i32
      %dma_start3A_198 = tpu.memref_slice %arg6[%add3A_138, %dma_start3A_196, %dma_start3A_197] : memref<1024x2x8192xf32, #tpu.memory_space<hbm>> -> memref<1x2x8192xf32, #tpu.memory_space<hbm>>
      %dma_start3A_199 = tpu.memref_squeeze %dma_start3A_198 : memref<1x2x8192xf32, #tpu.memory_space<hbm>> -> memref<2x8192xf32, #tpu.memory_space<hbm>>
      tpu.enqueue_dma source(%arg17 : memref<2x8192xf32, #tpu.memory_space<vmem>>) target(%dma_start3A_199 : memref<2x8192xf32, #tpu.memory_space<hbm>>) target_semaphore(%arg25 : memref<!tpu.dma_semaphore, #tpu.memory_space<semaphore_mem>>)
    }
    %scan3A_22 = arith.constant 16 : i32
    %add3A_23 = arith.constant 32 : i32
    %add3A_24 = arith.addi %mul3A_2, %add3A_23 : i32
    %sub3A = arith.constant 2 : i32
    %sub3A_25 = arith.subi %add3A_24, %sub3A : i32
    %add3A_26 = arith.constant 0 : i32
    %add3A_27 = arith.addi %sub3A_25, %add3A_26 : i32
    %dma_wait3A = arith.constant 0 : i32
    %dma_wait3A_28 = tpu.memref_slice %arg4[%add3A_27, %dma_wait3A] : memref<1024x8192xf32, #tpu.memory_space<hbm>> -> memref<1x8192xf32, #tpu.memory_space<hbm>>
    %dma_wait3A_29 = tpu.memref_squeeze %dma_wait3A_28 : memref<1x8192xf32, #tpu.memory_space<hbm>> -> memref<8192xf32, #tpu.memory_space<hbm>>
    %dma_wait3A_30 = arith.constant 0 : i32
    %dma_wait3A_31 = tpu.memref_slice %arg4[%add3A_27, %dma_wait3A_30] : memref<1024x8192xf32, #tpu.memory_space<hbm>> -> memref<1x8192xf32, #tpu.memory_space<hbm>>
    %dma_wait3A_32 = tpu.memref_squeeze %dma_wait3A_31 : memref<1x8192xf32, #tpu.memory_space<hbm>> -> memref<8192xf32, #tpu.memory_space<hbm>>
    tpu.wait_dma2 semaphore(%arg20 : memref<!tpu.dma_semaphore, #tpu.memory_space<semaphore_mem>>) src(%arg12 : memref<8192xf32, #tpu.memory_space<vmem>>) dst(%dma_wait3A_32 : memref<8192xf32, #tpu.memory_space<hbm>>)
    %dma_wait3A_33 = arith.constant 0 : i32
    %dma_wait3A_34 = tpu.memref_slice %arg5[%add3A_27, %dma_wait3A_33] : memref<1024x8192xf32, #tpu.memory_space<hbm>> -> memref<1x8192xf32, #tpu.memory_space<hbm>>
    %dma_wait3A_35 = tpu.memref_squeeze %dma_wait3A_34 : memref<1x8192xf32, #tpu.memory_space<hbm>> -> memref<8192xf32, #tpu.memory_space<hbm>>
    %dma_wait3A_36 = arith.constant 0 : i32
    %dma_wait3A_37 = tpu.memref_slice %arg5[%add3A_27, %dma_wait3A_36] : memref<1024x8192xf32, #tpu.memory_space<hbm>> -> memref<1x8192xf32, #tpu.memory_space<hbm>>
    %dma_wait3A_38 = tpu.memref_squeeze %dma_wait3A_37 : memref<1x8192xf32, #tpu.memory_space<hbm>> -> memref<8192xf32, #tpu.memory_space<hbm>>
    tpu.wait_dma2 semaphore(%arg22 : memref<!tpu.dma_semaphore, #tpu.memory_space<semaphore_mem>>) src(%arg14 : memref<8192xf32, #tpu.memory_space<vmem>>) dst(%dma_wait3A_38 : memref<8192xf32, #tpu.memory_space<hbm>>)
    %dma_wait3A_39 = arith.constant 0 : i32
    %dma_wait3A_40 = arith.constant 0 : i32
    %dma_wait3A_41 = tpu.memref_slice %arg6[%add3A_27, %dma_wait3A_39, %dma_wait3A_40] : memref<1024x2x8192xf32, #tpu.memory_space<hbm>> -> memref<1x2x8192xf32, #tpu.memory_space<hbm>>
    %dma_wait3A_42 = tpu.memref_squeeze %dma_wait3A_41 : memref<1x2x8192xf32, #tpu.memory_space<hbm>> -> memref<2x8192xf32, #tpu.memory_space<hbm>>
    %dma_wait3A_43 = arith.constant 0 : i32
    %dma_wait3A_44 = arith.constant 0 : i32
    %dma_wait3A_45 = tpu.memref_slice %arg6[%add3A_27, %dma_wait3A_43, %dma_wait3A_44] : memref<1024x2x8192xf32, #tpu.memory_space<hbm>> -> memref<1x2x8192xf32, #tpu.memory_space<hbm>>
    %dma_wait3A_46 = tpu.memref_squeeze %dma_wait3A_45 : memref<1x2x8192xf32, #tpu.memory_space<hbm>> -> memref<2x8192xf32, #tpu.memory_space<hbm>>
    tpu.wait_dma2 semaphore(%arg24 : memref<!tpu.dma_semaphore, #tpu.memory_space<semaphore_mem>>) src(%arg16 : memref<2x8192xf32, #tpu.memory_space<vmem>>) dst(%dma_wait3A_46 : memref<2x8192xf32, #tpu.memory_space<hbm>>)
    %add3A_47 = arith.constant 32 : i32
    %add3A_48 = arith.addi %mul3A_2, %add3A_47 : i32
    %sub3A_49 = arith.constant 2 : i32
    %sub3A_50 = arith.subi %add3A_48, %sub3A_49 : i32
    %add3A_51 = arith.constant 1 : i32
    %add3A_52 = arith.addi %sub3A_50, %add3A_51 : i32
    %dma_wait3A_53 = arith.constant 0 : i32
    %dma_wait3A_54 = tpu.memref_slice %arg4[%add3A_52, %dma_wait3A_53] : memref<1024x8192xf32, #tpu.memory_space<hbm>> -> memref<1x8192xf32, #tpu.memory_space<hbm>>
    %dma_wait3A_55 = tpu.memref_squeeze %dma_wait3A_54 : memref<1x8192xf32, #tpu.memory_space<hbm>> -> memref<8192xf32, #tpu.memory_space<hbm>>
    %dma_wait3A_56 = arith.constant 0 : i32
    %dma_wait3A_57 = tpu.memref_slice %arg4[%add3A_52, %dma_wait3A_56] : memref<1024x8192xf32, #tpu.memory_space<hbm>> -> memref<1x8192xf32, #tpu.memory_space<hbm>>
    %dma_wait3A_58 = tpu.memref_squeeze %dma_wait3A_57 : memref<1x8192xf32, #tpu.memory_space<hbm>> -> memref<8192xf32, #tpu.memory_space<hbm>>
    tpu.wait_dma2 semaphore(%arg21 : memref<!tpu.dma_semaphore, #tpu.memory_space<semaphore_mem>>) src(%arg13 : memref<8192xf32, #tpu.memory_space<vmem>>) dst(%dma_wait3A_58 : memref<8192xf32, #tpu.memory_space<hbm>>)
    %dma_wait3A_59 = arith.constant 0 : i32
    %dma_wait3A_60 = tpu.memref_slice %arg5[%add3A_52, %dma_wait3A_59] : memref<1024x8192xf32, #tpu.memory_space<hbm>> -> memref<1x8192xf32, #tpu.memory_space<hbm>>
    %dma_wait3A_61 = tpu.memref_squeeze %dma_wait3A_60 : memref<1x8192xf32, #tpu.memory_space<hbm>> -> memref<8192xf32, #tpu.memory_space<hbm>>
    %dma_wait3A_62 = arith.constant 0 : i32
    %dma_wait3A_63 = tpu.memref_slice %arg5[%add3A_52, %dma_wait3A_62] : memref<1024x8192xf32, #tpu.memory_space<hbm>> -> memref<1x8192xf32, #tpu.memory_space<hbm>>
    %dma_wait3A_64 = tpu.memref_squeeze %dma_wait3A_63 : memref<1x8192xf32, #tpu.memory_space<hbm>> -> memref<8192xf32, #tpu.memory_space<hbm>>
    tpu.wait_dma2 semaphore(%arg23 : memref<!tpu.dma_semaphore, #tpu.memory_space<semaphore_mem>>) src(%arg15 : memref<8192xf32, #tpu.memory_space<vmem>>) dst(%dma_wait3A_64 : memref<8192xf32, #tpu.memory_space<hbm>>)
    %dma_wait3A_65 = arith.constant 0 : i32
    %dma_wait3A_66 = arith.constant 0 : i32
    %dma_wait3A_67 = tpu.memref_slice %arg6[%add3A_52, %dma_wait3A_65, %dma_wait3A_66] : memref<1024x2x8192xf32, #tpu.memory_space<hbm>> -> memref<1x2x8192xf32, #tpu.memory_space<hbm>>
    %dma_wait3A_68 = tpu.memref_squeeze %dma_wait3A_67 : memref<1x2x8192xf32, #tpu.memory_space<hbm>> -> memref<2x8192xf32, #tpu.memory_space<hbm>>
    %dma_wait3A_69 = arith.constant 0 : i32
    %dma_wait3A_70 = arith.constant 0 : i32
    %dma_wait3A_71 = tpu.memref_slice %arg6[%add3A_52, %dma_wait3A_69, %dma_wait3A_70] : memref<1024x2x8192xf32, #tpu.memory_space<hbm>> -> memref<1x2x8192xf32, #tpu.memory_space<hbm>>
    %dma_wait3A_72 = tpu.memref_squeeze %dma_wait3A_71 : memref<1x2x8192xf32, #tpu.memory_space<hbm>> -> memref<2x8192xf32, #tpu.memory_space<hbm>>
    tpu.wait_dma2 semaphore(%arg25 : memref<!tpu.dma_semaphore, #tpu.memory_space<semaphore_mem>>) src(%arg17 : memref<2x8192xf32, #tpu.memory_space<vmem>>) dst(%dma_wait3A_72 : memref<2x8192xf32, #tpu.memory_space<hbm>>)
    return
  }
}

</mosaic_0001>

<sc_bundles>
// kernel: kernel.3.cloned.1.call-start
scs
__scs_entry_jumppad:
0x0: {  	(pc) =	sbr.rel $0x88, $3  }
0x1: {  	(tag) =	ssettag $0x0;
	lr =	simm.s32 $0x1  }
0x2: {  	[smem:$0x3F9F] =	sst lr;
	_ =	strace $0xD0000000  }
0x3: {  	_ = 	snop  }
0x4: {  	_ = 	snop  }
0x5: {  	_ = 	snop  }
0x6: {  	_ = 	snop  }
0x7: {  	_ = 	snop  }
__scs_overlays_trampoline_lowered:
0x8: {  	[smem:$0x3FAE] =	sst s0  }
0x9: {  	[smem:$0x3FAF] =	sst s1  }
0xa: {  	[smem:$0x3FB0] =	sst s2  }
0xb: {  	[smem:$0x3FB1] =	sst s3  }
0xc: {  	[smem:$0x3FB2] =	sst s4  }
0xd: {  	[smem:$0x3FB3] =	sst s5  }
0xe: {  	[smem:$0x3FB4] =	sst s6  }
0xf: {  	[smem:$0x3FB5] =	sst s7  }
0x10: {  	[smem:$0x3FB6] =	sst s8  }
0x11: {  	[smem:$0x3FB7] =	sst s9;
	s0 =	simm.s32 @!p0 $0x0  }
0x12: {  	s1 =	sld [smem:$0x3F9D];
	s0 =	simm.s32 @p0 $0x1  }
0x13: {  	[smem:$0x3FB8] =	sst s0;
	s0 =	simm.s32 @!p1 $0x0  }
0x14: {  	s2 =	sld [smem:$0x3F9C];
	s0 =	simm.s32 @p1 $0x1  }
0x15: {  	[smem:$0x3FB9] =	sst s0;
	s0 =	simm.s32 @!p2 $0x0  }
0x16: {  	s3 =	sld [smem:$0x3FDB];
	s0 =	simm.s32 @p2 $0x1  }
0x17: {  	s4 =	simm.s32 $0x1BF5;
	[smem:$0x3FBB] =	sst s0  }
0x18: {  	s0 =	sld [smem:$0x3F9E];
	_ =	swait.ge [sflag:s4], $0x0  }
0x19: {  	s7 =	sld [smem:$0x3F9F]  }
0x1a: {  	s8 =	sadd.s32 $0xFFFFE003, lr  }
0x1b: {  	s9 =	sadd.s32 $0xFFFFFEF7, lr;
	s5 =	simm.s32 $0xFFFFFFFF;
	p2 =	slt.u32 s8, $0xFFFFF086  }
0x1c: {  	p1 =	slt.u32 s9, $0xF7A;
	s5 =	simm.s32 @!p2 $0x0  }
0x1d: {  	s5 =	simm.s32 @p1 $0x1;
	p0 =	seq.s32 s7, s2  }
0x1e: {  	s7 =	smul.u32 @!p0 $0xF7A, s2;
	p2 =	seq.s32 @!p0 s5, $0x0  }
0x1f: {  	s9 =	smul.u32 $0xF7A, s1;
	s8 =	simm.s32 @!p0 $0x1BF5;
	p2 =	por !p2, p0  }
0x20: {  	[sflag:s8] =	ssyncset.s32 @!p0 $0xFFFFF086;
	s6 =	sadd.s32 @!p0 s3, s7;
	s7 =	simm.s32 @!p0 $0x108  }
0x21: {  	s3 =	sadd.s32 s3, s9;
	s6 =	sadd.s32 @!p0 $0x88, s6;
	s7 =	simm.s32 @p2 $0x1082  }
0x22: {  	[simem:s7], [sflag:s8] =	dma.local @!p0 [hbm:s6], $0xF7A  }
0x23: {  	s9 =	sor.u32 $0xD0000000, s2;
	s6 =	simm.s32 $0x108;
	_ =	swait.ge @!p0 [sflag:s8], $0x0  }
0x24: {  	s3 =	sadd.s32 $0x88, s3;
	s6 =	simm.s32 @!p1 $0x1082;
	[sflag:s4] =	ssyncset.s32 $0xFFFFF086  }
0x25: {  	[simem:s6], [sflag:s4] =	dma.local [hbm:s3], $0xF7A  }
0x26: {  	[smem:$0x3F9F] =	sst s1;
	(tag) =	ssettag s2;
	_ =	strace s9  }
0x27: {  	s1 =	sld [smem:$0x3FAF]  }
0x28: {  	s2 =	sld [smem:$0x3FB0]  }
0x29: {  	s4 =	sld [smem:$0x3FB2]  }
0x2a: {  	p0 =	seq.s32 s5, $0x0;
	s5 =	sld [smem:$0x3FB3]  }
0x2b: {  	s6 =	sld [smem:$0x3FB4]  }
0x2c: {  	s7 =	sld [smem:$0x3FB5]  }
0x2d: {  	s3 =	simm.s32 $0x108;
	s8 =	sld [smem:$0x3FB6]  }
0x2e: {  	s3 =	simm.s32 @!p0 $0x1082;
	s9 =	sld [smem:$0x3FB7]  }
0x2f: {  	lr =	sadd.s32 s0, s3;
	s0 =	sld [smem:$0x3FAE]  }
0x30: {  	s3 =	sld [smem:$0x3FB1]  }
0x31: {  	[smem:$0x3FBA] =	sst s10  }
0x32: {  	s10 =	sld [smem:$0x3FB8];
	_ =	sdelay $0x3  }
0x33: {  	p0 =	seq.s32 s10, $0x1;
	s10 =	sld [smem:$0x3FBA];
	_ =	sdelay $0x3  }
0x34: {  	[smem:$0x3FBA] =	sst s10  }
0x35: {  	s10 =	sld [smem:$0x3FB9];
	_ =	sdelay $0x3  }
0x36: {  	p1 =	seq.s32 s10, $0x1;
	s10 =	sld [smem:$0x3FBA];
	_ =	sdelay $0x3  }
0x37: {  	[smem:$0x3FBA] =	sst s10  }
0x38: {  	s10 =	sld [smem:$0x3FBB]  }
0x39: {  	_ = 	snop;
	(pc) =	sbr.ind lr, $3  }
0x3a: {  	_ = 	snop  }
0x3b: {  	_ = 	snop  }
0x3c: {  	p2 =	seq.s32 s10, $0x1;
	s10 =	sld [smem:$0x3FBA]  }
0x3d: {  	_ =	shalt  }
0x3e: {  	_ =	shalt  }
0x3f: {  	_ =	shalt  }
0x40: {  	_ =	shalt  }
0x41: {  	_ =	shalt  }
0x42: {  	_ =	shalt  }
0x43: {  	_ =	shalt  }
0x44: {  	_ =	shalt  }
0x45: {  	_ =	shalt  }
0x46: {  	_ =	shalt  }
0x47: {  	_ =	shalt  }
0x48: {  	_ =	shalt  }
0x49: {  	_ =	shalt  }
0x4a: {  	_ =	shalt  }
0x4b: {  	_ =	shalt  }
0x4c: {  	_ =	shalt  }
0x4d: {  	_ =	shalt  }
0x4e: {  	_ =	shalt  }
0x4f: {  	_ =	shalt  }
0x50: {  	_ =	shalt  }
0x51: {  	_ =	shalt  }
0x52: {  	_ =	shalt  }
0x53: {  	_ =	shalt  }
0x54: {  	_ =	shalt  }
0x55: {  	_ =	shalt  }
0x56: {  	_ =	shalt  }
0x57: {  	_ =	shalt  }
0x58: {  	_ =	shalt  }
0x59: {  	_ =	shalt  }
0x5a: {  	_ =	shalt  }
0x5b: {  	_ =	shalt  }
0x5c: {  	_ =	shalt  }
0x5d: {  	_ =	shalt  }
0x5e: {  	_ =	shalt  }
0x5f: {  	_ =	shalt  }
0x60: {  	_ =	shalt  }
0x61: {  	_ =	shalt  }
0x62: {  	_ =	shalt  }
0x63: {  	_ =	shalt  }
0x64: {  	_ =	shalt  }
0x65: {  	_ =	shalt  }
0x66: {  	_ =	shalt  }
0x67: {  	_ =	shalt  }
0x68: {  	_ =	shalt  }
0x69: {  	_ =	shalt  }
0x6a: {  	_ =	shalt  }
0x6b: {  	_ =	shalt  }
0x6c: {  	_ =	shalt  }
0x6d: {  	_ =	shalt  }
0x6e: {  	_ =	shalt  }
0x6f: {  	_ =	shalt  }
0x70: {  	_ =	shalt  }
0x71: {  	_ =	shalt  }
0x72: {  	_ =	shalt  }
0x73: {  	_ =	shalt  }
0x74: {  	_ =	shalt  }
0x75: {  	_ =	shalt  }
0x76: {  	_ =	shalt  }
0x77: {  	_ =	shalt  }
0x78: {  	_ =	shalt  }
0x79: {  	_ =	shalt  }
0x7a: {  	_ =	shalt  }
0x7b: {  	_ =	shalt  }
0x7c: {  	_ =	shalt  }
0x7d: {  	_ =	shalt  }
0x7e: {  	_ =	shalt  }
0x7f: {  	_ =	shalt  }
0x80: {  	_ =	shalt  }
0x81: {  	_ =	shalt  }
0x82: {  	_ =	shalt  }
0x83: {  	_ =	shalt  }
0x84: {  	_ =	shalt  }
0x85: {  	_ =	shalt  }
0x86: {  	_ =	shalt  }
0x87: {  	_ =	shalt  }
.Lfunc_end0:
.L_simem_size_0:
called_computation_lowered:
.L_overlay_start_0:
0x88: {  	s2 =	sld [smem:$0x3FD9]  }
0x89: {  	s3 =	sld [smem:$0x3FFE];
	_ =	sdelay $0x1  }
0x8a: {  	s1 =	srdreg.scid  }
0x8b: {  	s0 =	sand.u32 $0x1, s1  }
0x8c: {  	s15 =	sshll.u32 s0, $0xA;
	s2 =	sadd.s32 s3, s2  }
0x8d: {  	s2 =	sadd.s32 s2, s15  }
0x8e: {  	[smem:$0x3FC6] =	sst s2  }
0x8f: {  	_ = 	snop  }
0x90: {  	s2 =	sld [smem:$0x3FD0];
	_ =	sdelay $0x1  }
0x91: {  	s16 =	sld [smem:$0x3FC9]  }
0x92: {  	s5 =	simm.s32 $0xA;
	s6 =	simm.s32 $0x10;
	s4 =	sld [smem:$0x3FC8]  }
0x93: {  	[smem:s6], [sflag:s5] =	dma.local [hbm:s2], $0x1  }
0x94: {  	_ =	swait.eq [sflag:s5], $0x1  }
0x95: {  	s17 =	sld [smem:$0x10];
	[sflag:s5] =	ssyncset.done $0x0  }
0x96: {  	s18 =	sld [smem:$0x11];
	[sflag:s5] =	ssyncadd.s32 $0xFFFFFFFF  }
0x97: {  	s19 =	sld [smem:$0x12];
	(tm) =	ssettm $0x1  }
0x98: {  	s7 =	sld [smem:$0x3FFB];
	_ =	sdelay $0x3  }
0x99: {  	_ =	strace s7  }
0x9a: {  	s7 =	sld [smem:$0x3FFC];
	_ =	sdelay $0x3  }
0x9b: {  	_ =	strace s7  }
0x9c: {  	s7 =	sld [smem:$0x3FFD];
	_ =	sdelay $0x3  }
0x9d: {  	_ =	strace s7  }
0x9e: {  	_ =	strace $0x8FFFFFFF  }
0x9f: {  	s20 =	sld [smem:$0x3FDB];
	_ =	sdelay $0x1  }
0xa0: {  	s8 =	simm.s32 $_scs_section_size  }
0xa1: {  	s9 =	simm.s32 $_size__tile_overlayer_lowered;
	s10 =	simm.s32 $_tile_overlayer_lowered  }
0xa2: {  	s23 =	simm.s32 $0x1BFF;
	s22 =	sshll.u32 s10, $0x1;
	s7 =	sadd.s32 s8, s20  }
0xa3: {  	s11 =	simm.s32 $0x0;
	s21 =	sshll.u32 s9, $0x1;
	s9 =	sadd.s32 s22, s7  }
0xa4: {  	[timem:s11], [sflag:s23] =	dma.local [hbm:s9], s21  }
0xa5: {  	_ =	swait.ge [sflag:s23], s21  }
0xa6: {  	s8 =	ssub.s32 $0x0, s21;
	[sflag:s23] =	ssyncset.done $0x0  }
0xa7: {  	[sflag:s23] =	ssyncadd.s32 s8;
	_ =	sdelay $0x1  }
0xa8: {  	s24 =	simm.s32 $0x1B8B  }
0xa9: {  	_ =	swait.ge [sflag:s24], $0x1  }
0xaa: {  	[sflag:s24] =	ssyncset.done $0x0  }
0xab: {  	s25 =	simm.s32 $0x1B8E;
	[sflag:s24] =	ssyncadd.s32 $0xFFFFFFFF  }
0xac: {  	s26 =	simm.s32 $execute0_lowered;
	[smem:$0x3FD2] =	sst s25  }
0xad: {  	s8 =	sshll.u32 s26, $0x1;
	_ =	strace $0x80000046;
	[dreg:$0x1] =	wrdreg $0xFFFFFFFF  }
0xae: {  	s28 =	simm.s32 $_size_execute0_lowered;
	s7 =	sadd.s32 s7, s8;
	[dreg:$0x0] =	wrdreg $0x0  }
0xaf: {  	s8 =	sshll.u32 s28, $0x1;
	[dreg:$0x2] =	wrdreg s7  }
0xb0: {  	[dreg:$0x3] =	wrdreg s8  }
0xb1: {  	[dreg:$0x4] =	wrdreg $0xC0  }
0xb2: {  	_ =	task [dreg:s11], $0x5FFFF  }
0xb3: {  	[dreg:$0x1] =	wrdreg $0xFFFFFFFF  }
0xb4: {  	[dreg:$0x0] =	wrdreg $0x60  }
0xb5: {  	[dreg:$0x2] =	wrdreg s16  }
0xb6: {  	[dreg:$0x3] =	wrdreg s4  }
0xb7: {  	[dreg:$0x4] =	wrdreg s17  }
0xb8: {  	[dreg:$0x5] =	wrdreg s18  }
0xb9: {  	[dreg:$0x6] =	wrdreg s19  }
0xba: {  	[dreg:$0x7] =	wrdreg $0x9  }
0xbb: {  	_ =	task.clear_ibuf [dreg:s11], $0x8FFFF;
	_ =	strace $0x90000046  }
0xbc: {  	s29 =	simm.s32 $0x9;
	_ =	strace $0x80000048  }
0xbd: {  	_ =	swait.ge [sflag:s29], $0x1  }
0xbe: {  	[sflag:s29] =	ssyncadd.s32 $0xFFFFFFFF  }
0xbf: {  	_ =	strace $0x90000048  }
0xc0: {  	_ =	sfence  }
0xc1: {  	s30 =	sld [smem:$0x0];
	_ =	sdelay $0x2  }
0xc2: {  	s31 =	sshll.u32 s1, $0xD;
	s1 =	sshrl.u32 s1, $0x2  }
0xc3: {  	s3 =	sand.u32 $0x4000, s31;
	s1 =	sadd.s32 s1, s30  }
0xc4: {  	s0 =	sor.u32 s3, s0;
	s1 =	sshll.u32 s1, $0x11  }
0xc5: {  	s0 =	sor.u32 s1, s0  }
0xc6: {  	s0 =	sadd.s32 $0x8F2B, s0  }
0xc7: {  	[sflag:s0] =	ssyncadd.remote.s32 $0x1  }
0xc8: {  	_ =	sfence.sel $0xFFFF  }
0xc9: {  	[dreg:$0x0] =	wrdreg $0xFFFFFFFF;
	(pc) =	sbr.abs _section_cstart, $3  }
0xca: {  	[dreg:$0x1] =	wrdreg $0xFFFFFFFF  }
0xcb: {  	_ =	task.clear_ibuf [dreg:s11], $0x2FFFF;
	_ =	strace $0x9FFFFFFF  }
0xcc: {  	(tm) =	ssettm $0x7FFFFFFF  }
0xcd: {  	_ =	shalt  }
tec
execute0_lowered:
.L_overlay_start_1:
0x0: {  	(tag) =	ssettag $0x1  }
0x1: {  	v0 =	vimm.f32 $1.500000000e+01;
	vm0 =	vcmask $0x300  }
0x2: {  	vm14 =	vcmask $0x704;
	v0 =	vsel vm0, $0x0, v0  }
0x3: {  	vm15 =	vcmask $0xB08;
	v0 =	vsel vm14, $0x3F800000, v0  }
0x4: {  	vm4 =	vcmask $0xF0C;
	v0 =	vsel vm15, $0x40000000, v0  }
0x5: {  	s0 =	rddreg [dreg:$0x0];
	vm5 =	vcmask $0x1310;
	v0 =	vsel vm4, $0x40400000, v0  }
0x6: {  	s1 =	rddreg [dreg:$0x1];
	s2 =	srdreg.scid;
	s6 =	simm.s32 $0x0;
	vm6 =	vcmask $0x1714;
	v0 =	vsel vm5, $0x40800000, v0  }
0x7: {  	s3 =	stileid.u32;
	vm7 =	vcmask $0x1B18;
	s15 =	simm.s32 $0x2080;
	s16 =	simm.s32 $0x3080;
	v0 =	vsel vm6, $0x40A00000, v0  }
0x8: {  	vm8 =	vcmask $0x1F1C;
	s17 =	simm.s32 $0x7080;
	s18 =	simm.s32 $0xB080;
	s2 =	sand.u32 $0x1, s2;
	v0 =	vsel vm7, $0x40C00000, v0  }
0x9: {  	vm9 =	vcmask $0x2320;
	s22 =	simm.s32 $0x2880;
	s3 =	sshll.u32 s3, $0x6;
	s4 =	sshll.u32 s2, $0x5;
	v0 =	vsel vm8, $0x40E00000, v0  }
0xa: {  	vm10 =	vcmask $0x2724;
	s23 =	simm.s32 $0x5080;
	[smem:$0x7FF] =	sst s6;
	s5 =	sor.u32 s4, s3;
	v0 =	vsel vm9, $0x41000000, v0  }
0xb: {  	vm11 =	vcmask $0x2B28;
	_ =	strace $0x80000047;
	s2 =	ssub.s32 $0x2, s2;
	s4 =	sshll.u32 s5, $0x9;
	v0 =	vsel vm10, $0x41100000, v0  }
0xc: {  	vm12 =	vcmask $0x2F2C;
	[dreg:$0x6] =	wrdreg s5;
	s5 =	sshrl.u32 s5, $0x3;
	s30 =	sadd.s32 s0, s4;
	v0 =	vsel vm11, $0x41200000, v0  }
0xd: {  	vm13 =	vcmask $0x3330;
	v2 =	vlaneseq.u32;
	s29 =	sshrl.u32 s2, $0x1;
	s1 =	sadd.s32 s1, s5;
	[dreg:$0x7] =	wrdreg s30;
	v0 =	vsel vm12, $0x41300000, v0  }
0xe: {  	v3 =	vimm.f32 $1.000000000e+00;
	vm14 =	vcmask $0x3734;
	s2 =	ssub.s32 s2, s29;
	s0 =	sadd.s32 $0x200, s0;
	[dreg:$0x8] =	wrdreg s1;
	v0 =	vsel vm13, $0x41400000, v0  }
0xf: {  	s24 =	simm.s32 $0x9080;
	v5 =	vimm.f32 $2.000000000e+00;
	vm15 =	vcmask $0x3B38;
	s31 =	smax.u32 s2, $0x1;
	[dreg:$0x9] =	wrdreg s0;
	v1 =	vsel vm14, $0x41500000, v0  }
0x10: {  	s25 =	simm.s32 $0xF080;
	v4 =	vadd.s32 $0xFFFFFFFF, v2;
	s2 =	simm.s32 $0x0;
	[dreg:$0xa] =	wrdreg s31;
	v0 =	vimm.f32 $0.0e+00;
	v1 =	vsel vm15, $0x41600000, v1  }
.LBB2_1:
0x11: {  	[dreg:$0xb] =	wrdreg s2  }
0x12: {  	s0 =	rddreg [dreg:$0x7]  }
0x13: {  	[tilespmem:s6], [sflag:$0x1] =	stream.linear.gather [hbm4b:s0+s6], $0x1000, $0x38;
	[tilespmem:$0x13080] =	vst v63  }
0x14: {  	s30 =	rddreg [dreg:$0x8];
	s1 =	simm.s32 $0x2000;
	s31 =	simm.s32 $0x9  }
0x15: {  	[tilespmem:s1], [sflag:$0x9] =	stream.linear.gather [hbm4b:s30+s6], $0x20, $0x38;
	[tilespmem:$0x13080] =	vst v63  }
0x16: {  	_ =	swait.ge [sflag:s31], $0x20  }
0x17: {  	[sflag:s31] =	ssyncset.done $0x0  }
0x18: {  	s7 =	simm.s32 $0x0;
	[sflag:s31] =	ssyncadd.s32 $0xFFFFFFE0  }
.LBB2_2:
0x19: {  	p0 =	sne.s32 s7, $0x0  }
.Ltmp0:
0x1a: {  	s0 =	sshll.u32 s7, $0x1;
	s1 =	rddreg [dreg:$0x6];
	(pc) =	sbr.rel @!p0 .LBB2_3-.Ltmp0, $4  }
0x1b: {  	s2 =	rddreg [dreg:$0x9];
	s1 =	sor.u32 s1, s0  }
0x1c: {  	[dreg:$0xf] =	wrdreg s1;
	s1 =	sshll.u32 s1, $0x9  }
0x1d: {  	s31 =	simm.s32 $0x1000;
	v6 =	vmov s0;
	s1 =	sadd.s32 s1, s2  }
0x1e: {  	v6 =	vand.u32 $0xFFFFFFFE, v6;
	[tilespmem:s31], [sflag:$0x2] =	stream.linear.gather [hbm4b:s1+s6], $0x1000, $0x38;
	[tilespmem:$0x13080] =	vst v63  }
0x1f: {  	s0 =	simm.s32 $0x3  }
0x20: {  	_ =	swait.ge [sflag:s0], $0x2000  }
0x21: {  	[sflag:s0] =	ssyncset.done $0x0  }
0x22: {  	s28 =	simm.s32 $0x5;
	[sflag:s0] =	ssyncadd.s32 $0xFFFFE000  }
0x23: {  	_ =	swait.ge [sflag:s28], $0x2000  }
0x24: {  	[sflag:s28] =	ssyncset.done $0x0  }
0x25: {  	s29 =	simm.s32 $0x7;
	[sflag:s28] =	ssyncadd.s32 $0xFFFFE000  }
0x26: {  	_ =	swait.ge [sflag:s29], $0x4000  }
0x27: {  	[sflag:s29] =	ssyncset.done $0x0  }
0x28: {  	s30 =	simm.s32 $0x20A0;
	[sflag:s29] =	ssyncadd.s32 $0xFFFFC000  }
0x29: {  	v7 =	vld [tilespmem:s30+$0x10]  }
0x2a: {  	v8 =	vld [tilespmem:s30+$0xFFFFFFF0]  }
0x2b: {  	v9 =	vld [tilespmem:s30+$0x0]  }
0x2c: {  	v11 =	vld [tilespmem:s30+$0xFFFFFFE0];
	_ =	sdelay $0x1  }
0x2d: {  	v6 =	vbroadcast v6, $0x0  }
0x2e: {  	vm0 =	vgt.s32 v7, $0x0  }
0x2f: {  	vm1 =	vgt.s32 v8, $0x0;
	v7 =	vnsel vm0, $0x0, v7  }
0x30: {  	vm14 =	vgt.s32 v9, $0x0;
	vm15 =	vgt.s32 v11, $0x0;
	v10 =	vmin.u32 v7, $0x1FFF  }
0x31: {  	v8 =	vnsel vm1, $0x0, v8;
	v7 =	vnsel vm14, $0x0, v9;
	v9 =	vshll.u32 v10, $0x1  }
0x32: {  	s31 =	simm.s32 $0x2000;
	v11 =	vnsel vm15, $0x0, v11;
	v12 =	vand.u32 $0x7F, v10;
	v13 =	vand.u32 $0x3F00, v9  }
0x33: {  	v6 =	vld.idx.msk [tilespmem:v6+s31+$0x0], $0xffff;
	v8 =	vmin.u32 v8, $0x1FFF;
	v7 =	vmin.u32 v7, $0x1FFF;
	v13 =	vor.u32 v12, v13  }
0x34: {  	v15 =	vcvt.s32.f32 v10;
	v16 =	vshll.u32 v8, $0x1;
	v12 =	vor.u32 $0x80, v13  }
0x35: {  	v9 =	vmin.u32 v11, $0x1FFF;
	v17 =	vshll.u32 v7, $0x1;
	v11 =	vcvt.s32.f32 v8  }
0x36: {  	s1 =	simm.s32 $0x20E0;
	s0 =	simm.s32 $0x0;
	v18 =	vshll.u32 v9, $0x1;
	v14 =	vcvt.s32.f32 v9;
	v15 =	vsub.f32 $-5.000000000e-01, v15  }
.LBB2_7:
0x37: {  	v19 =	vld [tilespmem:s1+$0x10];
	s0 =	sadd.s32 $0x4, s0;
	v18 =	vand.u32 $0x3F00, v18;
	v16 =	vand.u32 $0x3F00, v16;
	v20 =	vcvt.s32.f32 v7;
	[tilespmem:v10+s16+$0x0] =	vst.idx.msk $0xffff, v0  }
0x38: {  	v21 =	vand.u32 $0x7F, v9;
	v22 =	vand.u32 $0x7F, v8;
	v17 =	vand.u32 $0x3F00, v17;
	v10 =	vld [tilespmem:s1+$0xFFFFFFF0];
	p0 =	slt.u32 s0, $0x7C;
	[tilespmem:v13+s18+$0x0] =	vst.idx.msk $0xffff, v15  }
0x39: {  	v18 =	vor.u32 v21, v18;
	v16 =	vor.u32 v22, v16;
	v21 =	vand.u32 $0x7F, v7;
	v13 =	vld [tilespmem:s1+$0x0];
	[tilespmem:v12+s18+$0x0] =	vst.idx.msk $0xffff, v15  }
0x3a: {  	v14 =	vsub.f32 $-5.000000000e-01, v14;
	v11 =	vsub.f32 $-5.000000000e-01, v11;
	v12 =	vld [tilespmem:s1+$0xFFFFFFE0];
	[tilespmem:v9+s16+$0x0] =	vst.idx.msk $0xffff, v0;
	v9 =	vor.u32 v21, v17  }
0x3b: {  	v15 =	vor.u32 $0x80, v18;
	v21 =	vor.u32 $0x80, v16;
	v17 =	vsub.f32 $-5.000000000e-01, v20;
	[tilespmem:v8+s16+$0x0] =	vst.idx.msk $0xffff, v0  }
0x3c: {  	vm0 =	vgt.s32 v19, $0x0;
	[tilespmem:v7+s16+$0x0] =	vst.idx.msk $0xffff, v0;
	v7 =	vor.u32 $0x80, v9  }
0x3d: {  	vm1 =	vgt.s32 v10, $0x0;
	v8 =	vnsel vm0, $0x0, v19  }
0x3e: {  	v19 =	vnsel vm1, $0x0, v10;
	vm0 =	vgt.s32 v13, $0x0;
	v10 =	vmin.u32 v8, $0x1FFF;
	[tilespmem:v18+s18+$0x0] =	vst.idx.msk $0xffff, v14  }
0x3f: {  	vm1 =	vgt.s32 v12, $0x0;
	v18 =	vnsel vm0, $0x0, v13;
	v8 =	vshll.u32 v10, $0x1;
	[tilespmem:v9+s18+$0x0] =	vst.idx.msk $0xffff, v17  }
.Ltmp1:
0x40: {  	v9 =	vnsel vm1, $0x0, v12;
	v12 =	vand.u32 $0x7F, v10;
	v13 =	vand.u32 $0x3F00, v8;
	[tilespmem:v15+s18+$0x0] =	vst.idx.msk $0xffff, v14;
	(pc) =	sbr.rel @p0 .LBB2_7-.Ltmp1, $4  }
0x41: {  	v8 =	vmin.u32 v19, $0x1FFF;
	v9 =	vmin.u32 v9, $0x1FFF;
	v13 =	vor.u32 v12, v13;
	[tilespmem:v7+s18+$0x0] =	vst.idx.msk $0xffff, v17  }
0x42: {  	v15 =	vcvt.s32.f32 v10;
	v7 =	vmin.u32 v18, $0x1FFF;
	v12 =	vor.u32 $0x80, v13;
	[tilespmem:v16+s18+$0x0] =	vst.idx.msk $0xffff, v11  }
0x43: {  	v18 =	vshll.u32 v9, $0x1;
	v16 =	vshll.u32 v8, $0x1;
	v17 =	vshll.u32 v7, $0x1;
	[tilespmem:v21+s18+$0x0] =	vst.idx.msk $0xffff, v11  }
0x44: {  	s1 =	sadd.s32 $0x40, s1;
	v14 =	vcvt.s32.f32 v9;
	v15 =	vsub.f32 $-5.000000000e-01, v15;
	v11 =	vcvt.s32.f32 v8  }
0x45: {  	_ =	sdelay $0x3  }
0x46: {  	v18 =	vand.u32 $0x3F00, v18;
	[tilespmem:v10+s16+$0x0] =	vst.idx.msk $0xffff, v0;
	v56 =	vand.u32 $0x7F, v9  }
0x47: {  	v17 =	vand.u32 $0x3F00, v17;
	v57 =	vand.u32 $0x7F, v7;
	[tilespmem:v9+s16+$0x0] =	vst.idx.msk $0xffff, v0;
	v10 =	vor.u32 v56, v18  }
0x48: {  	v59 =	vand.u32 $0x3F00, v16;
	v62 =	vand.u32 $0x7F, v8;
	[tilespmem:v8+s16+$0x0] =	vst.idx.msk $0xffff, v0;
	v58 =	vor.u32 v57, v17  }
0x49: {  	v60 =	vcvt.s32.f32 v7;
	[tilespmem:v13+s18+$0x0] =	vst.idx.msk $0xffff, v15;
	v13 =	vor.u32 v62, v59  }
0x4a: {  	[tilespmem:v7+s16+$0x0] =	vst.idx.msk $0xffff, v0;
	v14 =	vsub.f32 $-5.000000000e-01, v14;
	v61 =	vor.u32 $0x80, v10  }
0x4b: {  	[tilespmem:v12+s18+$0x0] =	vst.idx.msk $0xffff, v15;
	v8 =	vor.u32 $0x80, v58;
	v15 =	vsub.f32 $-5.000000000e-01, v60  }
0x4c: {  	v63 =	vsub.f32 $-5.000000000e-01, v11;
	v7 =	vor.u32 $0x80, v13;
	[tilespmem:v10+s18+$0x0] =	vst.idx.msk $0xffff, v14  }
.Ltmp2:
0x4d: {  	[tilespmem:v58+s18+$0x0] =	vst.idx.msk $0xffff, v15;
	(pc) =	sbr.rel .LBB2_9-.Ltmp2, $4  }
0x4e: {  	[tilespmem:v13+s18+$0x0] =	vst.idx.msk $0xffff, v63  }
0x4f: {  	[tilespmem:v61+s18+$0x0] =	vst.idx.msk $0xffff, v14  }
0x50: {  	[tilespmem:v8+s18+$0x0] =	vst.idx.msk $0xffff, v15  }
0x51: {  	[tilespmem:v7+s18+$0x0] =	vst.idx.msk $0xffff, v63  }
.LBB2_3:
0x52: {  	v6 =	vbroadcast v6, $0x0;
	_ =	sdelay $0x4  }
0x53: {  	s0 =	simm.s32 $0x2000;
	s1 =	simm.s32 $0x30C0  }
0x54: {  	v6 =	vld.idx.msk [tilespmem:v6+s0+$0x0], $0xffff;
	[tilespmem:s1+$0x30] =	vst v0  }
0x55: {  	s2 =	simm.s32 $0x20;
	[tilespmem:s1+$0x10] =	vst v0  }
0x56: {  	s2 =	scvt.s32.f32 s2;
	[tilespmem:s1+$0xFFFFFFF0] =	vst v0  }
0x57: {  	s12 =	simm.s32 $0x30;
	[tilespmem:s1+$0xFFFFFFD0] =	vst v0  }
0x58: {  	s11 =	simm.s32 $0x10;
	s3 =	scvt.s32.f32 s12;
	v8 =	vadd.f32 s2, v1;
	[tilespmem:s1+$0xFFFFFFE0] =	vst v0  }
0x59: {  	s0 =	scvt.s32.f32 s11;
	[tilespmem:s1+$0xFFFFFFC0] =	vst v0  }
0x5a: {  	v9 =	vadd.f32 s3, v1;
	v8 =	vsub.f32 $-5.000000000e-01, v8;
	[tilespmem:s1+$0x20] =	vst v0  }
0x5b: {  	s21 =	simm.s32 $0x60;
	[tilespmem:s1+$0x0] =	vst v0;
	v7 =	vadd.f32 s0, v1;
	s0 =	simm.s32 $0xB100  }
0x5c: {  	s19 =	simm.s32 $0x50;
	s26 =	scvt.s32.f32 s21;
	v9 =	vsub.f32 $-5.000000000e-01, v9;
	[tilespmem:s0+$0xFFFFFFA0] =	vst v8  }
0x5d: {  	s20 =	scvt.s32.f32 s19;
	[tilespmem:s0+$0x20] =	vst v8  }
0x5e: {  	s13 =	simm.s32 $0x40;
	v63 =	vadd.f32 s26, v1;
	[tilespmem:s0+$0xFFFFFFB0] =	vst v9;
	v7 =	vsub.f32 $-5.000000000e-01, v7  }
0x5f: {  	s14 =	scvt.s32.f32 s13;
	v8 =	vadd.f32 s20, v1;
	[tilespmem:s0+$0x30] =	vst v9  }
0x60: {  	v9 =	vsub.f32 $-5.000000000e-01, v63;
	[tilespmem:s0+$0xFFFFFF90] =	vst v7  }
0x61: {  	s29 =	simm.s32 $0x0;
	v8 =	vsub.f32 $-5.000000000e-01, v8;
	[tilespmem:s0+$0x10] =	vst v7;
	v7 =	vadd.f32 s14, v1  }
0x62: {  	s31 =	scvt.s32.f32 s29;
	[tilespmem:s0+$0xFFFFFFE0] =	vst v9  }
0x63: {  	s28 =	simm.s32 $0x70;
	[tilespmem:s0+$0xFFFFFFD0] =	vst v8;
	v7 =	vsub.f32 $-5.000000000e-01, v7  }
0x64: {  	s30 =	scvt.s32.f32 s28;
	v10 =	vadd.f32 s31, v1;
	[tilespmem:s0+$0x50] =	vst v8  }
0x65: {  	[tilespmem:s0+$0xFFFFFFC0] =	vst v7  }
0x66: {  	v8 =	vsub.f32 $-5.000000000e-01, v10;
	[tilespmem:s0+$0x40] =	vst v7;
	v7 =	vadd.f32 s30, v1  }
0x67: {  	[tilespmem:s0+$0x60] =	vst v9  }
0x68: {  	[tilespmem:s0+$0xFFFFFF80] =	vst v8;
	v7 =	vsub.f32 $-5.000000000e-01, v7  }
0x69: {  	s4 =	simm.s32 $0x3140;
	[tilespmem:s0+$0x0] =	vst v8  }
0x6a: {  	s2 =	simm.s32 $0xF0;
	s3 =	simm.s32 $0xB200;
	s1 =	simm.s32 $0x0;
	[tilespmem:s0+$0xFFFFFFF0] =	vst v7  }
.LBB2_4:
0x6b: {  	s5 =	sadd.s32 $0xFFFFFF90, s2;
	s6 =	sadd.s32 $0xFFFFFFB0, s2;
	s8 =	sadd.s32 $0xFFFFFFC0, s2;
	[tilespmem:s0+$0x70] =	vst v7  }
0x6c: {  	s6 =	scvt.s32.f32 s6;
	s0 =	scvt.s32.f32 s8;
	s8 =	sadd.s32 $0xFFFFFFD0, s2;
	[tilespmem:s4+$0x30] =	vst v0  }
0x6d: {  	s9 =	sadd.s32 $0xFFFFFFA0, s2;
	s5 =	scvt.s32.f32 s5;
	s8 =	scvt.s32.f32 s8;
	[tilespmem:s4+$0x10] =	vst v0  }
0x6e: {  	s1 =	sadd.s32 $0x8, s1;
	s9 =	scvt.s32.f32 s9;
	[tilespmem:s4+$0xFFFFFFF0] =	vst v0;
	v7 =	vadd.f32 s0, v1;
	s0 =	smov.u32 s3  }
0x6f: {  	p0 =	slt.u32 s1, $0x1F8;
	v8 =	vadd.f32 s5, v1;
	[tilespmem:s4+$0xFFFFFFD0] =	vst v0;
	v9 =	vadd.f32 s8, v1  }
0x70: {  	v10 =	vadd.f32 s9, v1;
	[tilespmem:s4+$0xFFFFFFE0] =	vst v0  }
0x71: {  	[tilespmem:s4+$0xFFFFFFC0] =	vst v0  }
0x72: {  	v11 =	vadd.f32 s6, v1;
	v10 =	vsub.f32 $-5.000000000e-01, v10;
	[tilespmem:s4+$0x20] =	vst v0  }
0x73: {  	[tilespmem:s4+$0x0] =	vst v0  }
0x74: {  	v11 =	vsub.f32 $-5.000000000e-01, v11;
	[tilespmem:s3+$0xFFFFFF90] =	vst v10  }
0x75: {  	s5 =	sadd.s32 $0xFFFFFFE0, s2;
	[tilespmem:s3+$0x10] =	vst v10  }
0x76: {  	s5 =	scvt.s32.f32 s5;
	v7 =	vsub.f32 $-5.000000000e-01, v7;
	[tilespmem:s3+$0xFFFFFFA0] =	vst v11  }
0x77: {  	s6 =	sadd.s32 $0xFFFFFFF0, s2;
	[tilespmem:s3+$0x20] =	vst v11  }
0x78: {  	v9 =	vsub.f32 $-5.000000000e-01, v9;
	v10 =	vadd.f32 s5, v1;
	s5 =	scvt.s32.f32 s6;
	[tilespmem:s3+$0xFFFFFFB0] =	vst v7  }
0x79: {  	[tilespmem:s3+$0x30] =	vst v7  }
0x7a: {  	v7 =	vsub.f32 $-5.000000000e-01, v10;
	v10 =	vadd.f32 s5, v1;
	s5 =	scvt.s32.f32 s2;
	[tilespmem:s3+$0xFFFFFFC0] =	vst v9  }
0x7b: {  	[tilespmem:s3+$0x40] =	vst v9  }
0x7c: {  	v9 =	vsub.f32 $-5.000000000e-01, v10;
	v10 =	vadd.f32 s5, v1;
	[tilespmem:s3+$0xFFFFFFD0] =	vst v7  }
0x7d: {  	[tilespmem:s3+$0x50] =	vst v7  }
.Ltmp3:
0x7e: {  	v7 =	vsub.f32 $-5.000000000e-01, v10;
	[tilespmem:s3+$0xFFFFFFE0] =	vst v9;
	(pc) =	sbr.rel @p0 .LBB2_4-.Ltmp3, $4  }
0x7f: {  	v8 =	vsub.f32 $-5.000000000e-01, v8;
	[tilespmem:s3+$0x60] =	vst v9  }
0x80: {  	[tilespmem:s3+$0xFFFFFFF0] =	vst v7  }
0x81: {  	[tilespmem:s3+$0xFFFFFF80] =	vst v8  }
0x82: {  	s4 =	sadd.s32 $0x80, s4;
	s2 =	sadd.s32 $0x80, s2;
	s3 =	sadd.s32 $0x100, s3;
	[tilespmem:s0+$0x0] =	vst v8  }
0x83: {  	[tilespmem:s0+$0x70] =	vst v7  }
.LBB2_9:
0x84: {  	s0 =	simm.s32 $0x70  }
0x85: {  	s1 =	simm.s32 $0x10;
	s2 =	simm.s32 $0x60;
	s26 =	simm.s32 $0x30;
	v7 =	vor.u32 s0, v2  }
0x86: {  	s21 =	simm.s32 $0x20;
	s29 =	simm.s32 $0x40;
	v8 =	vor.u32 s1, v2;
	v9 =	vor.u32 s2, v2;
	v10 =	vor.u32 s26, v2  }
0x87: {  	s28 =	simm.s32 $0x0;
	v11 =	vor.u32 s29, v2;
	vm0 =	vgt.s32 v7, v6;
	v7 =	vor.u32 s21, v2  }
0x88: {  	s30 =	simm.s32 $0x50;
	vm1 =	vgt.s32 v9, v6;
	v9 =	vor.u32 s28, v2;
	vm2 =	vgt.s32 v8, v6  }
0x89: {  	[dreg:$0xc] =	wrdreg s7;
	s31 =	sshllo.u32 s7, $0x1;
	v8 =	vor.u32 s30, v2;
	vm4 =	vgt.s32 v10, v6;
	vm5 =	vgt.s32 v11, v6  }
0x8a: {  	s0 =	simm.s32 $0x70C0;
	[dreg:$0xd] =	wrdreg s31;
	v12 =	vsel vm1, $0x3E4CCCCD, v3;
	vm1 =	vgt.s32 v9, v6;
	vm3 =	vgt.s32 v7, v6  }
0x8b: {  	v10 =	vsel vm2, $0x3E4CCCCD, v3;
	[tilespmem:s0+$0x20] =	vst v12;
	v7 =	vsel vm1, $0x3E4CCCCD, v3;
	vm1 =	vgt.s32 v8, v6  }
0x8c: {  	s3 =	simm.s32 $0xF0;
	s2 =	simm.s32 $0x0;
	s1 =	simm.s32 $0x70C0;
	v9 =	vsel vm3, $0x3E4CCCCD, v3;
	v8 =	vsel vm4, $0x3E4CCCCD, v3;
	[tilespmem:s0+$0xFFFFFFC0] =	vst v7;
	v7 =	vsel vm5, $0x3E4CCCCD, v3  }
.LBB2_10:
0x8d: {  	s4 =	sadd.s32 $0xFFFFFFA0, s3;
	s5 =	sadd.s32 $0xFFFFFFF0, s3;
	v11 =	vor.u32 s3, v2;
	s2 =	sadd.s32 $0x8, s2;
	[tilespmem:s0+$0xFFFFFFD0] =	vst v10;
	v10 =	vsel vm1, $0x3E4CCCCD, v3;
	v12 =	vsel vm0, $0x3E4CCCCD, v3  }
0x8e: {  	s6 =	sadd.s32 $0xFFFFFFC0, s3;
	v13 =	vor.u32 s4, v2;
	s4 =	sadd.s32 $0xFFFFFFB0, s3;
	v14 =	vor.u32 s5, v2;
	vm0 =	vgt.s32 v11, v6;
	p0 =	slt.u32 s2, $0x1F8;
	[tilespmem:s0+$0xFFFFFFE0] =	vst v9  }
0x8f: {  	s5 =	sadd.s32 $0xFFFFFF90, s3;
	v11 =	vor.u32 s6, v2;
	s6 =	sadd.s32 $0xFFFFFFE0, s3;
	v9 =	vor.u32 s4, v2;
	s4 =	sadd.s32 $0xFFFFFFD0, s3;
	vm1 =	vgt.s32 v14, v6;
	[tilespmem:s0+$0xFFFFFFF0] =	vst v8  }
.Ltmp4:
0x90: {  	v8 =	vor.u32 s5, v2;
	s0 =	sadd.s32 $0x80, s0;
	v14 =	vor.u32 s4, v2;
	v15 =	vsel vm1, $0x3E4CCCCD, v3;
	[tilespmem:s1+$0x0] =	vst v7;
	(pc) =	sbr.rel @p0 .LBB2_10-.Ltmp4, $4  }
0x91: {  	vm2 =	vgt.s32 v13, v6;
	vm1 =	vgt.s32 v8, v6;
	v7 =	vor.u32 s6, v2;
	[tilespmem:s0+$0x20] =	vst v15  }
0x92: {  	vm4 =	vgt.s32 v11, v6;
	vm3 =	vgt.s32 v9, v6;
	vm5 =	vgt.s32 v14, v6;
	[tilespmem:s1+$0x10] =	vst v10  }
0x93: {  	v8 =	vsel vm1, $0x3E4CCCCD, v3;
	vm1 =	vgt.s32 v7, v6;
	v10 =	vsel vm2, $0x3E4CCCCD, v3;
	[tilespmem:s1+$0x30] =	vst v12;
	s1 =	smov.u32 s0  }
0x94: {  	s3 =	sadd.s32 $0x80, s3;
	v9 =	vsel vm3, $0x3E4CCCCD, v3;
	v7 =	vsel vm5, $0x3E4CCCCD, v3;
	[tilespmem:s0+$0xFFFFFFC0] =	vst v8;
	v8 =	vsel vm4, $0x3E4CCCCD, v3  }
0x95: {  	[tilespmem:s0+$0xFFFFFFD0] =	vst v10  }
0x96: {  	[tilespmem:s0+$0xFFFFFFE0] =	vst v9  }
0x97: {  	[tilespmem:s0+$0xFFFFFFF0] =	vst v8  }
0x98: {  	v6 =	vsel vm1, $0x3E4CCCCD, v3;
	[tilespmem:s1+$0x0] =	vst v7  }
0x99: {  	v7 =	vsel vm0, $0x3E4CCCCD, v3;
	[tilespmem:s1+$0x10] =	vst v6  }
0x9a: {  	s7 =	simm.s32 $0x0;
	s2 =	simm.s32 $0x1;
	[tilespmem:s1+$0x30] =	vst v7  }
0x9b: {  	s12 =	sand.u32 $0x40, s7;
	_ =	swait.ge [sflag:s2], $0x1000  }
0x9c: {  	s3 =	sand.u32 $0xF00, s7;
	s1 =	sor.u32 $0x30, s12;
	[sflag:s2] =	ssyncset.done $0x0  }
0x9d: {  	s13 =	sor.u32 s1, s3;
	[sflag:s2] =	ssyncadd.s32 $0xFFFFF000  }
0x9e: {  	s14 =	sor.u32 $0x10, s12;
	v6 =	vld [tilespmem:s13+$0x0]  }
0x9f: {  	s4 =	sor.u32 s14, s3;
	v7 =	vld [tilespmem:s13+$0x80]  }
0xa0: {  	s5 =	sor.u32 $0x20, s12;
	v8 =	vld [tilespmem:s4+$0x0]  }
0xa1: {  	s28 =	simm.s32 $0x40;
	s19 =	sor.u32 s5, s3;
	v9 =	vld [tilespmem:s4+$0x80]  }
0xa2: {  	s21 =	sand.u32 $0x40, s28;
	s20 =	sor.u32 s12, s3;
	s12 =	simm.s32 $0x80;
	v10 =	vld [tilespmem:s19+$0x0]  }
0xa3: {  	s9 =	sor.u32 $0x10, s21;
	s0 =	sand.u32 $0xF00, s12;
	v11 =	vld [tilespmem:s19+$0x80]  }
0xa4: {  	s11 =	sor.u32 s9, s0;
	v12 =	vld [tilespmem:s20+$0x0];
	[dreg:$0x13] =	wrdreg s20  }
0xa5: {  	v14 =	vld [tilespmem:s11+$0x0]  }
0xa6: {  	s6 =	sor.u32 $0x30, s21;
	v15 =	vld [tilespmem:s11+$0x80]  }
0xa7: {  	s26 =	sor.u32 s6, s0  }
0xa8: {  	v13 =	vld [tilespmem:s26+$0x0]  }
0xa9: {  	v6 =	vadd.f32 v7, v6;
	v7 =	vld [tilespmem:s20+$0x80]  }
0xaa: {  	v8 =	vadd.f32 v9, v8;
	v9 =	vld [tilespmem:s26+$0x80];
	v10 =	vadd.f32 v11, v10  }
0xab: {  	s20 =	sor.u32 $0x20, s21;
	v14 =	vadd.f32 v15, v14;
	v6 =	vmul.f32 $3.125000000e-02, v6  }
0xac: {  	s29 =	sor.u32 s20, s0;
	v8 =	vmul.f32 $3.125000000e-02, v8;
	v10 =	vmul.f32 $3.125000000e-02, v10  }
0xad: {  	v14 =	vmul.f32 $3.125000000e-02, v14;
	v11 =	vtrunc.f32 v6;
	vm0 =	vlt.f32 v6, $0.0e+00;
	v6 =	vld [tilespmem:s29+$0x0]  }
0xae: {  	s2 =	sor.u32 s21, s0;
	s4 =	simm.s32 $0x80;
	vm1 =	vlt.f32 v8, $0.0e+00;
	v11 =	vcvt.f32.s32 v11;
	v7 =	vadd.f32 v7, v12;
	v12 =	vld [tilespmem:s29+$0x80]  }
0xaf: {  	s19 =	sand.u32 $0x40, s4;
	s11 =	simm.s32 $0x100;
	v8 =	vtrunc.f32 v8;
	v16 =	vtrunc.f32 v10;
	v9 =	vadd.f32 v9, v13;
	v13 =	vld [tilespmem:s2+$0x0];
	[dreg:$0x12] =	wrdreg s2  }
0xb0: {  	s13 =	sand.u32 $0x780, s7;
	s30 =	sor.u32 $0x30, s19;
	s21 =	sand.u32 $0xF00, s11;
	v8 =	vcvt.f32.s32 v8;
	v62 =	vld [tilespmem:s2+$0x80];
	v11 =	vsel vm0, $0xFFFFFFFF, v11;
	v7 =	vmul.f32 $3.125000000e-02, v7  }
0xb1: {  	s8 =	sadd.s32 $0x2080, s13;
	s10 =	sor.u32 s30, s21;
	vm0 =	vlt.f32 v10, $0.0e+00;
	v10 =	vcvt.f32.s32 v16;
	v9 =	vmul.f32 $3.125000000e-02, v9  }
0xb2: {  	s31 =	simm.s32 $0x2080;
	s2 =	sor.u32 s1, s8;
	s1 =	sor.u32 $0x10, s19;
	v17 =	vsel vm1, $0xFFFFFFFF, v8;
	v8 =	vld [tilespmem:s10+$0x80];
	v15 =	vtrunc.f32 v7;
	vm2 =	vlt.f32 v7, $0.0e+00  }
0xb3: {  	s13 =	simm.s32 $0x4;
	s26 =	sor.u32 s14, s8;
	s7 =	sor.u32 s1, s21;
	[tilespmem:s2+$0x0] =	vst v11;
	v7 =	vld [tilespmem:s10+$0x0];
	v15 =	vcvt.f32.s32 v15;
	v11 =	vadd.f32 v12, v6;
	v12 =	vtrunc.f32 v9  }
0xb4: {  	s14 =	sor.u32 $0x20, s19;
	s29 =	sand.u32 $0x780, s28;
	s8 =	sor.u32 s5, s8;
	[tilespmem:s26+$0x0] =	vst v17;
	v10 =	vsel vm0, $0xFFFFFFFF, v10;
	vm1 =	vlt.f32 v9, $0.0e+00;
	v6 =	vld [tilespmem:s7+$0x0];
	v12 =	vcvt.f32.s32 v12  }
0xb5: {  	s5 =	simm.s32 $0x8;
	s28 =	sadd.s32 $0x2080, s29;
	s2 =	sor.u32 s14, s21;
	[tilespmem:s8+$0x0] =	vst v10;
	v10 =	vld [tilespmem:s7+$0x80];
	v16 =	vadd.f32 v62, v13;
	v15 =	vsel vm2, $0xFFFFFFFF, v15;
	v63 =	vmul.f32 $3.125000000e-02, v11  }
0xb6: {  	s19 =	sor.u32 s19, s21;
	s9 =	sor.u32 s9, s28;
	s29 =	sor.u32 s6, s28;
	vm0 =	vlt.f32 v14, $0.0e+00;
	v9 =	vld [tilespmem:s2+$0x0];
	v13 =	vtrunc.f32 v14;
	[tilespmem:s31+$0x0] =	vst v15;
	v15 =	vsel vm1, $0xFFFFFFFF, v12  }
0xb7: {  	s6 =	sor.u32 s20, s28;
	s20 =	simm.s32 $0xC0;
	s21 =	simm.s32 $0x80;
	v11 =	vld [tilespmem:s2+$0x80];
	v12 =	vmul.f32 $3.125000000e-02, v16;
	vm1 =	vlt.f32 v63, $0.0e+00;
	v14 =	vtrunc.f32 v63;
	[tilespmem:s29+$0x0] =	vst v15  }
.LBB2_12:
0xb8: {  	s7 =	sand.u32 $0x40, s20;
	s11 =	sadd.s32 $0x80, s11  }
0xb9: {  	v15 =	vld [tilespmem:s19+$0x0];
	v7 =	vadd.f32 v8, v7;
	v8 =	vcvt.f32.s32 v13;
	v13 =	vcvt.f32.s32 v14;
	s8 =	smov.u32 s30;
	s10 =	smov.u32 s1;
	s26 =	smov.u32 s14  }
0xba: {  	s5 =	sadd.s32 $0x4, s5;
	s2 =	sand.u32 $0xF00, s11;
	s30 =	sor.u32 $0x30, s7;
	v14 =	vld [tilespmem:s19+$0x80];
	vm2 =	vlt.f32 v12, $0.0e+00;
	v12 =	vtrunc.f32 v12  }
0xbb: {  	s1 =	sor.u32 $0x10, s7;
	p0 =	slt.u32 s5, $0x7C;
	s28 =	sor.u32 s30, s2;
	v6 =	vadd.f32 v10, v6;
	v16 =	vmul.f32 $3.125000000e-02, v7;
	v10 =	vcvt.f32.s32 v12  }
0xbc: {  	s14 =	sor.u32 $0x20, s7;
	s19 =	sor.u32 s7, s2;
	s29 =	sor.u32 s1, s2;
	v12 =	vsel vm0, $0xFFFFFFFF, v8;
	v13 =	vsel vm1, $0xFFFFFFFF, v13;
	v7 =	vld [tilespmem:s28+$0x0]  }
.Ltmp5:
0xbd: {  	s2 =	sor.u32 s14, s2;
	v8 =	vld [tilespmem:s28+$0x80];
	v17 =	vmul.f32 $3.125000000e-02, v6;
	v9 =	vadd.f32 v11, v9;
	v11 =	vtrunc.f32 v16;
	[tilespmem:s9+$0x0] =	vst v12;
	(pc) =	sbr.rel @p0 .LBB2_12-.Ltmp5, $4  }
0xbe: {  	s31 =	sadd.s32 $0x40, s31;
	s7 =	sand.u32 $0x780, s21;
	s21 =	smov.u32 s20;
	v12 =	vsel vm2, $0xFFFFFFFF, v10;
	v6 =	vld [tilespmem:s29+$0x0];
	v11 =	vcvt.f32.s32 v11;
	[tilespmem:s6+$0x0] =	vst v13  }
0xbf: {  	s7 =	sadd.s32 $0x2080, s7;
	vm1 =	vlt.f32 v16, $0.0e+00;
	v10 =	vld [tilespmem:s29+$0x80];
	v14 =	vadd.f32 v14, v15;
	v15 =	vmul.f32 $3.125000000e-02, v9;
	[tilespmem:s31+$0x0] =	vst v12  }
0xc0: {  	s9 =	sor.u32 s10, s7;
	s6 =	sor.u32 s26, s7;
	s7 =	sor.u32 s8, s7;
	vm0 =	vlt.f32 v17, $0.0e+00;
	v13 =	vtrunc.f32 v17;
	v9 =	vld [tilespmem:s2+$0x0];
	v16 =	vsel vm1, $0xFFFFFFFF, v11  }
0xc1: {  	s20 =	sadd.s32 $0x40, s20;
	v11 =	vld [tilespmem:s2+$0x80];
	v12 =	vmul.f32 $3.125000000e-02, v14;
	vm1 =	vlt.f32 v15, $0.0e+00;
	v14 =	vtrunc.f32 v15;
	[tilespmem:s7+$0x0] =	vst v16  }
0xc2: {  	v15 =	vld [tilespmem:s19+$0x0]  }
0xc3: {  	v7 =	vadd.f32 v8, v7;
	v8 =	vcvt.f32.s32 v13;
	v13 =	vcvt.f32.s32 v14;
	v14 =	vld [tilespmem:s19+$0x80]  }
0xc4: {  	v16 =	vtrunc.f32 v12;
	vm2 =	vlt.f32 v12, $0.0e+00  }
0xc5: {  	v7 =	vmul.f32 $3.125000000e-02, v7;
	v6 =	vadd.f32 v10, v6;
	v10 =	vcvt.f32.s32 v16  }
0xc6: {  	v8 =	vsel vm0, $0xFFFFFFFF, v8;
	v12 =	vsel vm1, $0xFFFFFFFF, v13;
	v9 =	vadd.f32 v11, v9  }
0xc7: {  	v11 =	vtrunc.f32 v7;
	v6 =	vmul.f32 $3.125000000e-02, v6;
	v10 =	vsel vm2, $0xFFFFFFFF, v10  }
0xc8: {  	vm0 =	vlt.f32 v7, $0.0e+00;
	v11 =	vcvt.f32.s32 v11;
	v13 =	vadd.f32 v14, v15  }
0xc9: {  	s2 =	simm.s32 $0x30;
	v9 =	vmul.f32 $3.125000000e-02, v9;
	vm1 =	vlt.f32 v6, $0.0e+00;
	v6 =	vtrunc.f32 v6  }
0xca: {  	s5 =	sand.u32 $0x780, s21;
	[tilespmem:s9+$0x0] =	vst v8;
	v7 =	vsel vm0, $0xFFFFFFFF, v11;
	v8 =	vmul.f32 $3.125000000e-02, v13;
	v11 =	vadd.s32 s2, v4  }
0xcb: {  	s11 =	sadd.s32 $0x40, s31;
	s5 =	sadd.s32 $0x2080, s5;
	[tilespmem:s6+$0x0] =	vst v12;
	v6 =	vcvt.f32.s32 v6;
	v12 =	vtrunc.f32 v9;
	vm0 =	vgt.s32 v11, $0x0  }
0xcc: {  	s7 =	sor.u32 s30, s5;
	[tilespmem:s11+$0x0] =	vst v10;
	v10 =	vcvt.f32.s32 v12;
	v12 =	vtrunc.f32 v8;
	v11 =	vnsel vm0, $0x0, v11  }
0xcd: {  	s19 =	simm.s32 $0x0;
	s1 =	sor.u32 s1, s5;
	[tilespmem:s7+$0x0] =	vst v7;
	vm0 =	vlt.f32 v9, $0.0e+00;
	v6 =	vsel vm1, $0xFFFFFFFF, v6;
	v7 =	vcvt.f32.s32 v12  }
0xce: {  	s8 =	sand.u32 $0x7, s19;
	s5 =	sor.u32 s14, s5;
	vm1 =	vlt.f32 v8, $0.0e+00;
	[tilespmem:s1+$0x0] =	vst v6;
	v8 =	vsel vm0, $0xFFFFFFFF, v10  }
0xcf: {  	s20 =	sadd.s32 $0x40, s11;
	s8 =	sshll.u32 s8, $0x4;
	v7 =	vsel vm1, $0xFFFFFFFF, v7;
	[tilespmem:s5+$0x0] =	vst v8  }
0xd0: {  	s8 =	sadd.s32 $0x0, s8;
	[tilespmem:s20+$0x0] =	vst v7  }
0xd1: {  	s21 =	simm.s32 $0x20A0;
	s31 =	sadd.s32 $0x30, s8;
	s2 =	sand.u32 $0x70, s2;
	v6 =	vadd.s32 s19, v4;
	v8 =	vld.idx.msk [tilespmem:v11+s15+$0x0], $0xffff  }
0xd2: {  	s30 =	sor.u32 s2, s3;
	s2 =	sor.u32 $0x80, s31;
	s31 =	simm.s32 $0x60;
	vm0 =	vgt.s32 v6, $0x0;
	v21 =	vld [tilespmem:s21+$0x10]  }
0xd3: {  	v32 =	vadd.s32 s31, v4;
	v7 =	vnsel vm0, $0x0, v6;
	v20 =	vld [tilespmem:s21+$0xFFFFFFE0]  }
0xd4: {  	s26 =	simm.s32 $0x10;
	s29 =	simm.s32 $0x20;
	vm5 =	vgt.s32 v32, $0x0;
	v6 =	vld [tilespmem:s21+$0xFFFFFFF0]  }
0xd5: {  	s8 =	sadd.s32 $0x10, s8;
	v9 =	vadd.s32 s26, v4;
	v10 =	vadd.s32 s29, v4;
	v37 =	vnsel vm5, $0x0, v32  }
0xd6: {  	s8 =	sor.u32 $0x80, s8;
	vm1 =	vgt.s32 v10, $0x0;
	vm0 =	vgt.s32 v9, $0x0;
	v11 =	vmov s19;
	v14 =	vld [tilespmem:s2+$0x0]  }
0xd7: {  	s9 =	sand.u32 $0x3, s19;
	v10 =	vnsel vm1, $0x0, v10;
	v9 =	vnsel vm0, $0x0, v9;
	v15 =	vld [tilespmem:s8+$0x0];
	vm0 =	veq.s32 v11, v2  }
0xd8: {  	p0 =	por $0x0, $0x0;
	s9 =	sshll.u32 s9, $0x5;
	s7 =	simm.s32 $0x1;
	vm0 =	vmmov vm0;
	v12 =	vld.idx.msk [tilespmem:v7+s15+$0x0], $0xffff;
	vm1 =	vne.s32 v21, v8;
	vm2 =	vlt.u32 v21, $0x2000  }
0xd9: {  	s9 =	sadd.s32 $0x0, s9;
	s7 =	simm.s32 @!p0 $0x0;
	v7 =	vld [tilespmem:s21+$0x0];
	v11 =	vcvt.s32.f32 v20;
	v13 =	vshll.u32 v20, $0x1;
	v16 =	vcvt.s32.f32 v6  }
0xda: {  	s10 =	sadd.s32 $0x20, s9;
	s7 =	sshll.u32 s7, $0x6;
	v8 =	vld [tilespmem:s30+$0x0];
	v17 =	vshll.u32 v6, $0x1;
	v18 =	vshll.u32 v21, $0x1;
	v22 =	vcvt.s32.f32 v21  }
0xdb: {  	s14 =	sor.u32 $0x80, s10;
	s11 =	sadd.s32 $0x0, s7;
	v23 =	vand.u32 $0x7F, v21;
	s30 =	simm.s32 $0x70;
	vm6 =	vlt.u32 v6, $0x2000;
	vm4 =	vmand vm2, vm1  }
0xdc: {  	s1 =	sor.u32 $0x80, s11;
	v19 =	vld [tilespmem:s14+$0x0];
	v18 =	vand.u32 $0xFFFFFF00, v18;
	v17 =	vand.u32 $0xFFFFFF00, v17;
	v31 =	vadd.s32 s30, v4  }
0xdd: {  	v24 =	vld [tilespmem:s1+$0x0];
	v23 =	vor.u32 v23, v18;
	v22 =	vadd.f32 $5.000000000e-01, v22;
	v28 =	vadd.f32 $5.000000000e-01, v11  }
0xde: {  	v10 =	vld.idx.msk [tilespmem:v10+s15+$0x0], $0xffff;
	v16 =	vadd.f32 $5.000000000e-01, v16;
	v11 =	vmul.f32 $6.250000000e-02, v14;
	v14 =	vmul.f32 $6.250000000e-02, v15  }
0xdf: {  	s5 =	sand.u32 $0x50, s26;
	v27 =	vor.u32 $0x80, v23;
	v25 =	vcvt.s32.f32 v7;
	v8 =	vmul.f32 $6.250000000e-02, v8  }
0xe0: {  	s20 =	sand.u32 $0x60, s29;
	s19 =	sor.u32 s5, s3;
	v9 =	vld.idx.msk [tilespmem:v9+s15+$0x0], $0xffff;
	v26 =	vshll.u32 v7, $0x1;
	v29 =	vsub.f32 v11, v22;
	vm1 =	vne.s32 v20, v12  }
0xe1: {  	s26 =	simm.s32 $0x40;
	s1 =	sor.u32 s20, s3;
	s3 =	simm.s32 $0x20E0;
	v18 =	vld [tilespmem:s19+$0x0];
	v15 =	vadd.f32 $5.000000000e-01, v25;
	v25 =	vsub.f32 v8, v22;
	v8 =	vand.u32 $0xFFFFFF00, v13  }
0xe2: {  	v39 =	vld [tilespmem:s3+$0x10];
	v13 =	vmul.f32 $6.250000000e-02, v19;
	v19 =	vmul.f32 $6.250000000e-02, v24;
	v24 =	vadd.s32 s26, v4  }
0xe3: {  	s21 =	rddreg [dreg:$0x13];
	v11 =	vld [tilespmem:s1+$0x0];
	v35 =	vand.u32 $0x7F, v7;
	vm5 =	vne.s32 v7, v10;
	vm2 =	vgt.s32 v24, $0x0  }
0xe4: {  	v12 =	vld [tilespmem:s21+$0x0];
	v26 =	vand.u32 $0xFFFFFF00, v26;
	v24 =	vnsel vm2, $0x0, v24;
	vm2 =	vgt.s32 v31, $0x0  }
0xe5: {  	s29 =	simm.s32 $0x50;
	vm0 =	vmor vm0, vm1;
	vm1 =	vne.s32 v6, v9;
	v31 =	vnsel vm2, $0x0, v31  }
0xe6: {  	v10 =	vld [tilespmem:s3+$0x0];
	vm1 =	vmand vm6, vm1;
	v30 =	vmul.f32 $6.250000000e-02, v18;
	v18 =	vadd.s32 s29, v4  }
0xe7: {  	vm6 =	vlt.u32 v39, $0x2000;
	v22 =	vmov s26;
	s26 =	simm.s32 $0x4;
	[tilespmem:v21+s16+$0x0] =	vst.idx.msk vm4, v3;
	vm3 =	vgt.s32 v18, $0x0  }
0xe8: {  	s10 =	sand.u32 $0x7, s26;
	[tilespmem:v21+s17+$0x0] =	vst.idx.msk vm4, v5;
	v21 =	vshll.u32 v39, $0x1;
	v33 =	vnsel vm3, $0x0, v18;
	v59 =	vmul.f32 $6.250000000e-02, v11  }
0xe9: {  	v34 =	vmul.f32 $6.250000000e-02, v12;
	v11 =	vand.u32 $0x7F, v20;
	vm3 =	veq.s32 v22, v2;
	s7 =	sshll.u32 s10, $0x4  }
0xea: {  	v22 =	vand.u32 $0x7F, v6;
	v12 =	vsub.f32 v14, v16;
	v18 =	vsub.f32 v19, v28;
	s7 =	sadd.s32 $0x80, s7;
	v31 =	vld.idx.msk [tilespmem:v31+s15+$0x0], $0xffff  }
0xeb: {  	v9 =	vld [tilespmem:s3+$0xFFFFFFE0];
	[tilespmem:v23+s18+$0x0] =	vst.idx.msk vm4, v25;
	v21 =	vand.u32 $0xFFFFFF00, v21;
	v43 =	vcvt.s32.f32 v10;
	v25 =	vshll.u32 v10, $0x1;
	s14 =	sadd.s32 $0x30, s7  }
0xec: {  	s28 =	simm.s32 $0x2;
	s6 =	simm.s32 $0x1;
	v14 =	vor.u32 v22, v17;
	vm2 =	vlt.u32 v20, $0x2000;
	v17 =	vsub.f32 v30, v16;
	v16 =	vld [tilespmem:s3+$0xFFFFFFF0];
	s19 =	sor.u32 $0x80, s14  }
0xed: {  	p0 =	por !p0, !p0;
	s11 =	sand.u32 $0x3, s28;
	s2 =	sand.u32 $0x70, s30;
	v38 =	vor.u32 v11, v8;
	v8 =	vsub.f32 v13, v15;
	vm2 =	vmand vm2, vm0;
	v60 =	vld [tilespmem:s19+$0x0]  }
0xee: {  	s8 =	sshll.u32 s11, $0x5;
	s2 =	sor.u32 s2, s0;
	v11 =	vor.u32 v35, v26;
	vm3 =	vmmov vm3;
	vm0 =	vlt.u32 v7, $0x2000;
	s7 =	sadd.s32 $0x10, s7;
	v30 =	vld.idx.msk [tilespmem:v24+s15+$0x0], $0xffff  }
0xef: {  	s6 =	simm.s32 @!p0 $0x0;
	s8 =	sadd.s32 $0x80, s8;
	[tilespmem:v27+s18+$0x0] =	vst.idx.msk vm4, v29;
	v27 =	vcvt.s32.f32 v39;
	vm0 =	vmand vm0, vm5;
	s7 =	sor.u32 $0x80, s7;
	v24 =	vld [tilespmem:s2+$0x0];
	vm5 =	vne.s32 v39, v31  }
0xf0: {  	s6 =	sshll.u32 s6, $0x6;
	s8 =	sadd.s32 $0x20, s8;
	v29 =	vand.u32 $0x7F, v39;
	v26 =	vsub.f32 v34, v28;
	v61 =	vld [tilespmem:s7+$0x0];
	vm5 =	vmand vm6, vm5  }
0xf1: {  	s20 =	sadd.s32 $0x80, s6;
	s21 =	sor.u32 $0x80, s8;
	v13 =	vsub.f32 v59, v15;
	v22 =	vor.u32 $0x80, v38;
	v19 =	vor.u32 $0x80, v14  }
0xf2: {  	s5 =	sand.u32 $0x50, s29;
	v41 =	vld [tilespmem:s21+$0x0];
	v15 =	vor.u32 $0x80, v11;
	v44 =	vor.u32 v29, v21;
	s2 =	sor.u32 $0x80, s20;
	v23 =	vcvt.s32.f32 v16  }
0xf3: {  	s1 =	sand.u32 $0x60, s31;
	s29 =	sor.u32 s5, s0;
	v28 =	vcvt.s32.f32 v9;
	v62 =	vadd.f32 $5.000000000e-01, v27;
	v36 =	vor.u32 $0x80, v44;
	v42 =	vld [tilespmem:s2+$0x0];
	[tilespmem:v20+s16+$0x0] =	vst.idx.msk vm2, v3  }
0xf4: {  	s30 =	sor.u32 s1, s0;
	v32 =	vld [tilespmem:s29+$0x0];
	v40 =	vshll.u32 v16, $0x1;
	v23 =	vadd.f32 $5.000000000e-01, v23;
	[tilespmem:v20+s17+$0x0] =	vst.idx.msk vm2, v5;
	v45 =	vmul.f32 $6.250000000e-02, v24  }
0xf5: {  	v29 =	vld [tilespmem:s30+$0x0];
	v46 =	vmul.f32 $6.250000000e-02, v60;
	v27 =	vmul.f32 $6.250000000e-02, v61;
	v20 =	vadd.f32 $5.000000000e-01, v43;
	[tilespmem:v38+s18+$0x0] =	vst.idx.msk vm2, v26  }
0xf6: {  	v21 =	vld.idx.msk [tilespmem:v33+s15+$0x0], $0xffff;
	v24 =	vadd.f32 $5.000000000e-01, v28;
	v31 =	vshll.u32 v9, $0x1;
	v63 =	vsub.f32 v45, v62;
	[tilespmem:v39+s16+$0x0] =	vst.idx.msk vm5, v3  }
0xf7: {  	v33 =	vld.idx.msk [tilespmem:v37+s15+$0x0], $0xffff;
	v28 =	vmul.f32 $6.250000000e-02, v41;
	v26 =	vsub.f32 v46, v62;
	v34 =	vand.u32 $0xFFFFFF00, v31;
	s31 =	rddreg [dreg:$0x12];
	[tilespmem:v39+s17+$0x0] =	vst.idx.msk vm5, v5  }
0xf8: {  	vm6 =	vne.s32 v9, v30;
	v30 =	vmul.f32 $6.250000000e-02, v42;
	v31 =	vand.u32 $0xFFFFFF00, v40;
	v35 =	vld [tilespmem:s31+$0x0];
	[tilespmem:v44+s18+$0x0] =	vst.idx.msk vm5, v63  }
.LBB2_14:
0xf9: {  	v37 =	vmov s4;
	v38 =	vadd.s32 s4, v4;
	s1 =	sadd.s32 $0x10, s4;
	s6 =	sadd.s32 $0x20, s4;
	s5 =	sadd.s32 $0x30, s4;
	v32 =	vmul.f32 $6.250000000e-02, v32;
	[tilespmem:v36+s18+$0x0] =	vst.idx.msk vm5, v26  }
0xfa: {  	s0 =	sand.u32 $0x40, s4;
	vm4 =	vgt.s32 v38, $0x0;
	s2 =	sand.u32 $0x50, s1;
	v26 =	vadd.s32 s1, v4;
	s1 =	sand.u32 $0x60, s6;
	v36 =	vadd.s32 s5, v4;
	[tilespmem:v22+s18+$0x0] =	vst.idx.msk vm2, v18  }
0xfb: {  	v22 =	vadd.s32 s6, v4;
	v18 =	vnsel vm4, $0x0, v38;
	vm2 =	vgt.s32 v36, $0x0;
	[tilespmem:v6+s16+$0x0] =	vst.idx.msk vm1, v3  }
0xfc: {  	s13 =	sadd.s32 $0x4, s13;
	vm4 =	vgt.s32 v26, $0x0;
	vm5 =	vgt.s32 v22, $0x0;
	v36 =	vnsel vm2, $0x0, v36;
	[tilespmem:v6+s17+$0x0] =	vst.idx.msk vm1, v5;
	v6 =	vmovc v16  }
0xfd: {  	p1 =	slt.u32 s13, $0x7C;
	v38 =	vnsel vm4, $0x0, v26;
	v26 =	vnsel vm5, $0x0, v22;
	v22 =	vmul.f32 $6.250000000e-02, v29;
	[tilespmem:v14+s18+$0x0] =	vst.idx.msk vm1, v17  }
0xfe: {  	v29 =	vmul.f32 $6.250000000e-02, v35;
	v16 =	vand.u32 $0xFFFFFF00, v25;
	v14 =	vand.u32 $0x7F, v9;
	[tilespmem:v19+s18+$0x0] =	vst.idx.msk vm1, v12  }
0xff: {  	vm4 =	veq.s32 v37, v2;
	v17 =	vand.u32 $0x7F, v6;
	v19 =	vand.u32 $0x7F, v10;
	[tilespmem:v7+s16+$0x0] =	vst.idx.msk vm0, v3  }
0x100: {  	vm5 =	vne.s32 v6, v21;
	vm1 =	vmor vm3, vm6;
	vm3 =	vne.s32 v10, v33;
	v37 =	vld.idx.msk [tilespmem:v18+s15+$0x0], $0xffff  }
0x101: {  	p0 =	por !p0, !p0;
	s3 =	sadd.s32 $0x40, s3;
	s6 =	simm.s32 $0x1;
	v21 =	vsub.f32 v28, v20;
	v33 =	vor.u32 v14, v34;
	v12 =	vsub.f32 v27, v23;
	v25 =	vld.idx.msk [tilespmem:v36+s15+$0x0], $0xffff  }
0x102: {  	s26 =	sadd.s32 $0x4, s26;
	s28 =	sadd.s32 $0x2, s28;
	s6 =	simm.s32 @!p0 $0x0;
	v14 =	vor.u32 v17, v31;
	v19 =	vor.u32 v19, v16;
	v18 =	vsub.f32 v30, v24;
	v39 =	vld [tilespmem:s3+$0x10]  }
0x103: {  	s7 =	sand.u32 $0x7, s26;
	s8 =	sand.u32 $0x3, s28;
	s6 =	sshll.u32 s6, $0x6;
	vm2 =	vlt.u32 v9, $0x2000;
	vm6 =	vlt.u32 v6, $0x2000;
	v17 =	vsub.f32 v32, v23;
	v27 =	vld [tilespmem:s3+$0xFFFFFFE0];
	[tilespmem:v7+s17+$0x0] =	vst.idx.msk vm0, v5;
	v7 =	vmovc v10  }
0x104: {  	s12 =	sadd.s32 $0x80, s12;
	s7 =	sshll.u32 s7, $0x4;
	s8 =	sshll.u32 s8, $0x5;
	v28 =	vsub.f32 v29, v24;
	v16 =	vld [tilespmem:s3+$0xFFFFFFF0];
	vm7 =	vlt.u32 v7, $0x2000;
	[tilespmem:v11+s18+$0x0] =	vst.idx.msk vm0, v13;
	v13 =	vsub.f32 v22, v20  }
0x105: {  	s9 =	sand.u32 $0xF00, s12;
	s5 =	sand.u32 $0x70, s5;
	s7 =	sadd.s32 s12, s7;
	vm2 =	vmand vm2, vm1;
	vm1 =	vmand vm6, vm5;
	v11 =	vmovc v19;
	v10 =	vld [tilespmem:s3+$0x0];
	[tilespmem:v15+s18+$0x0] =	vst.idx.msk vm0, v8;
	vm0 =	vmand vm7, vm3;
	v8 =	vmovc v21  }
0x106: {  	s5 =	sor.u32 s5, s9;
	s8 =	sadd.s32 s12, s8;
	s10 =	sadd.s32 $0x30, s7;
	v22 =	vor.u32 $0x80, v33;
	v19 =	vor.u32 $0x80, v14;
	v15 =	vor.u32 $0x80, v11;
	v21 =	vld.idx.msk [tilespmem:v38+s15+$0x0], $0xffff  }
0x107: {  	s7 =	sadd.s32 $0x10, s7;
	s8 =	sadd.s32 $0x20, s8;
	vm3 =	vmmov vm4;
	vm5 =	vne.s32 v39, v25;
	vm6 =	vlt.u32 v39, $0x2000;
	v20 =	vld [tilespmem:s5+$0x0];
	s5 =	sor.u32 $0x80, s10  }
0x108: {  	s6 =	sadd.s32 s6, s12;
	s7 =	sor.u32 $0x80, s7;
	s8 =	sor.u32 $0x80, s8;
	v23 =	vcvt.s32.f32 v27;
	v30 =	vshll.u32 v27, $0x1;
	vm5 =	vmand vm6, vm5;
	v31 =	vld [tilespmem:s5+$0x0]  }
0x109: {  	s2 =	sor.u32 s2, s9;
	s1 =	sor.u32 s1, s9;
	v24 =	vshll.u32 v39, $0x1;
	s5 =	sor.u32 $0x80, s6;
	v34 =	vld [tilespmem:s7+$0x0];
	v29 =	vcvt.s32.f32 v16;
	v38 =	vshll.u32 v16, $0x1  }
0x10a: {  	s0 =	sor.u32 s0, s9;
	v35 =	vcvt.s32.f32 v39;
	v32 =	vand.u32 $0x7F, v39;
	v24 =	vand.u32 $0xFFFFFF00, v24;
	v40 =	vld [tilespmem:s8+$0x0]  }
0x10b: {  	v43 =	vor.u32 v32, v24;
	v42 =	vcvt.s32.f32 v10;
	v25 =	vshll.u32 v10, $0x1;
	v41 =	vld [tilespmem:s5+$0x0];
	[tilespmem:v9+s16+$0x0] =	vst.idx.msk vm2, v3  }
.Ltmp6:
0x10c: {  	v44 =	vadd.f32 $5.000000000e-01, v35;
	v36 =	vor.u32 $0x80, v43;
	v32 =	vld [tilespmem:s2+$0x0];
	v45 =	vmul.f32 $6.250000000e-02, v20;
	[tilespmem:v9+s17+$0x0] =	vst.idx.msk vm2, v5;
	v9 =	vmovc v27;
	(pc) =	sbr.rel @p1 .LBB2_14-.Ltmp6, $4  }
0x10d: {  	v24 =	vadd.f32 $5.000000000e-01, v23;
	v23 =	vadd.f32 $5.000000000e-01, v29;
	v29 =	vld [tilespmem:s1+$0x0];
	v31 =	vmul.f32 $6.250000000e-02, v31;
	[tilespmem:v33+s18+$0x0] =	vst.idx.msk vm2, v28  }
0x10e: {  	v20 =	vadd.f32 $5.000000000e-01, v42;
	v35 =	vld [tilespmem:s0+$0x0];
	v27 =	vmul.f32 $6.250000000e-02, v34;
	v42 =	vsub.f32 v45, v44;
	[tilespmem:v39+s16+$0x0] =	vst.idx.msk vm5, v3  }
0x10f: {  	v34 =	vand.u32 $0xFFFFFF00, v30;
	v33 =	vld.idx.msk [tilespmem:v26+s15+$0x0], $0xffff;
	v28 =	vmul.f32 $6.250000000e-02, v40;
	v26 =	vsub.f32 v31, v44;
	[tilespmem:v39+s17+$0x0] =	vst.idx.msk vm5, v5  }
0x110: {  	s4 =	sadd.s32 $0x40, s4;
	vm6 =	vne.s32 v9, v37;
	v31 =	vand.u32 $0xFFFFFF00, v38;
	v30 =	vmul.f32 $6.250000000e-02, v41;
	[tilespmem:v43+s18+$0x0] =	vst.idx.msk vm5, v42  }
0x111: {  	_ =	sdelay $0x4  }
0x112: {  	[tilespmem:v36+s18+$0x0] =	vst.idx.msk vm5, v26  }
0x113: {  	[tilespmem:v22+s18+$0x0] =	vst.idx.msk vm2, v18  }
0x114: {  	[tilespmem:v6+s16+$0x0] =	vst.idx.msk vm1, v3  }
0x115: {  	vm10 =	vmor vm3, vm6;
	vm11 =	vlt.u32 v9, $0x2000;
	[tilespmem:v7+s16+$0x0] =	vst.idx.msk vm0, v3  }
0x116: {  	[tilespmem:v6+s17+$0x0] =	vst.idx.msk vm1, v5;
	vm2 =	vmand vm11, vm10  }
0x117: {  	[tilespmem:v7+s17+$0x0] =	vst.idx.msk vm0, v5  }
0x118: {  	vm12 =	vne.s32 v16, v21;
	vm13 =	vlt.u32 v16, $0x2000;
	v6 =	vand.u32 $0x7F, v9;
	[tilespmem:v14+s18+$0x0] =	vst.idx.msk vm1, v17  }
0x119: {  	v6 =	vor.u32 v6, v34;
	[tilespmem:v19+s18+$0x0] =	vst.idx.msk vm1, v12;
	vm1 =	vmand vm13, vm12  }
0x11a: {  	v7 =	vmul.f32 $6.250000000e-02, v35;
	[tilespmem:v11+s18+$0x0] =	vst.idx.msk vm0, v13  }
0x11b: {  	vm15 =	vlt.u32 v10, $0x2000;
	v58 =	vor.u32 $0x80, v6;
	[tilespmem:v15+s18+$0x0] =	vst.idx.msk vm0, v8;
	vm14 =	vne.s32 v10, v33  }
0x11c: {  	v7 =	vsub.f32 v7, v24;
	vm0 =	vmand vm15, vm14;
	[tilespmem:v9+s16+$0x0] =	vst.idx.msk vm2, v3  }
0x11d: {  	v8 =	vand.u32 $0x7F, v16;
	[tilespmem:v9+s17+$0x0] =	vst.idx.msk vm2, v5  }
0x11e: {  	v59 =	vsub.f32 v30, v24;
	v8 =	vor.u32 v8, v31;
	[tilespmem:v6+s18+$0x0] =	vst.idx.msk vm2, v7  }
0x11f: {  	v60 =	vmul.f32 $6.250000000e-02, v32;
	v61 =	vor.u32 $0x80, v8;
	[tilespmem:v16+s16+$0x0] =	vst.idx.msk vm1, v3  }
0x120: {  	[tilespmem:v58+s18+$0x0] =	vst.idx.msk vm2, v59  }
0x121: {  	v9 =	vsub.f32 v60, v23;
	[tilespmem:v16+s17+$0x0] =	vst.idx.msk vm1, v5  }
0x122: {  	v62 =	vsub.f32 v27, v23;
	[tilespmem:v10+s16+$0x0] =	vst.idx.msk vm0, v3  }
0x123: {  	v6 =	vand.u32 $0xFFFFFF00, v25;
	v7 =	vand.u32 $0x7F, v10;
	[tilespmem:v8+s18+$0x0] =	vst.idx.msk vm1, v9  }
0x124: {  	v6 =	vor.u32 v7, v6;
	[tilespmem:v61+s18+$0x0] =	vst.idx.msk vm1, v62  }
0x125: {  	v7 =	vmul.f32 $6.250000000e-02, v29;
	v63 =	vor.u32 $0x80, v6;
	s5 =	rddreg [dreg:$0xf]  }
0x126: {  	s4 =	rddreg [dreg:$0xc]  }
0x127: {  	v7 =	vsub.f32 v7, v20;
	s0 =	sshll.u32 s5, $0xA;
	s1 =	sshll.u32 s4, $0x5  }
0x128: {  	s20 =	rddreg [dreg:$0x2];
	v8 =	vsub.f32 v28, v20;
	[tilespmem:v10+s17+$0x0] =	vst.idx.msk vm0, v5;
	s0 =	sand.u32 $0xFE000, s0;
	s1 =	sand.u32 $0x60, s1  }
0x129: {  	s2 =	simm.s32 $0x80;
	s21 =	rddreg [dreg:$0x3];
	[tilespmem:v6+s18+$0x0] =	vst.idx.msk vm0, v7;
	s0 =	sor.u32 s1, s0  }
0x12a: {  	s3 =	simm.s32 $0x400;
	s28 =	rddreg [dreg:$0x4];
	[tilespmem:v63+s18+$0x0] =	vst.idx.msk vm0, v8;
	s1 =	sadd.s32 s20, s0  }
0x12b: {  	[hbm4b:s1+s2] =	stream.strided.scatter [tilespmem:s16], [sflag:$0x3], $0x2000, s3, s2, $0x38;
	[tilespmem:$0x13080] =	vst v63  }
0x12c: {  	s26 =	sshll.u32 s5, $0xB;
	s0 =	sadd.s32 s21, s0;
	s30 =	rddreg [dreg:$0x6]  }
0x12d: {  	[hbm4b:s0+s2] =	stream.strided.scatter [tilespmem:s17], [sflag:$0x5], $0x2000, s3, s2, $0x38;
	[tilespmem:$0x13080] =	vst v63  }
0x12e: {  	s29 =	simm.s32 $0x0;
	s31 =	rddreg [dreg:$0xd];
	s0 =	sadd.s32 s28, s26  }
0x12f: {  	[hbm4b:s0+s29] =	stream.linear.scatter [tilespmem:s18], [sflag:$0x7], $0x4000, $0x38;
	[tilespmem:$0x13080] =	vst v63  }
0x130: {  	p0 =	seq.s32 s4, $0xF;
	s1 =	rddreg [dreg:$0x9];
	s0 =	sor.u32 s30, s31  }
0x131: {  	[dreg:$0xe] =	wrdreg s0;
	s0 =	sshll.u32 @!p0 s0, $0x9  }
0x132: {  	p1 =	seq.s32 @!p0 s4, $0x0;
	s0 =	sadd.s32 @!p0 s0, s1;
	s1 =	simm.s32 @!p0 $0x0  }
0x133: {  	[tilespmem:s1], [sflag:$0x1] =	stream.linear.gather @!p0 [hbm4b:s0+s1], $0x1000, $0x38;
	[tilespmem:$0x13080] =	vst v63  }
0x134: {  	p0 =	por p0, !p1  }
.Ltmp7:
0x135: {  	_ = 	snop;
	(pc) =	sbr.rel @!p0 .LBB2_19-.Ltmp7, $2  }
0x136: {  	_ =	sdelay $0x2  }
0x137: {  	v6 =	vmov s31  }
0x138: {  	s0 =	simm.s32 $0x4  }
0x139: {  	_ =	swait.ge [sflag:s0], $0x2000  }
0x13a: {  	[sflag:s0] =	ssyncset.done $0x0  }
0x13b: {  	s28 =	simm.s32 $0x6;
	[sflag:s0] =	ssyncadd.s32 $0xFFFFE000  }
0x13c: {  	_ =	swait.ge [sflag:s28], $0x2000  }
0x13d: {  	[sflag:s28] =	ssyncset.done $0x0  }
0x13e: {  	s29 =	simm.s32 $0x8;
	[sflag:s28] =	ssyncadd.s32 $0xFFFFE000  }
0x13f: {  	_ =	swait.ge [sflag:s29], $0x4000  }
0x140: {  	[sflag:s29] =	ssyncset.done $0x0  }
0x141: {  	s31 =	simm.s32 $0x28A0;
	[sflag:s29] =	ssyncadd.s32 $0xFFFFC000  }
0x142: {  	v7 =	vld [tilespmem:s31+$0x10]  }
0x143: {  	v8 =	vld [tilespmem:s31+$0xFFFFFFF0]  }
0x144: {  	v9 =	vld [tilespmem:s31+$0x0]  }
0x145: {  	v11 =	vld [tilespmem:s31+$0xFFFFFFE0];
	_ =	sdelay $0x2  }
0x146: {  	vm0 =	vgt.s32 v7, $0x0  }
0x147: {  	vm1 =	vgt.s32 v8, $0x0;
	v7 =	vnsel vm0, $0x0, v7  }
0x148: {  	vm14 =	vgt.s32 v9, $0x0;
	vm15 =	vgt.s32 v11, $0x0;
	v10 =	vmin.u32 v7, $0x1FFF  }
0x149: {  	v8 =	vnsel vm1, $0x0, v8;
	v7 =	vnsel vm14, $0x0, v9;
	v9 =	vshll.u32 v10, $0x1  }
0x14a: {  	s30 =	simm.s32 $0x2000;
	v11 =	vnsel vm15, $0x0, v11;
	v12 =	vand.u32 $0x7F, v10;
	v13 =	vand.u32 $0x3F00, v9  }
0x14b: {  	v6 =	vld.idx.msk [tilespmem:v6+s30+$0x0], $0xffff;
	v8 =	vmin.u32 v8, $0x1FFF;
	v7 =	vmin.u32 v7, $0x1FFF;
	v13 =	vor.u32 v12, v13  }
0x14c: {  	v15 =	vcvt.s32.f32 v10;
	v16 =	vshll.u32 v8, $0x1;
	v12 =	vor.u32 $0x80, v13  }
0x14d: {  	v9 =	vmin.u32 v11, $0x1FFF;
	v17 =	vshll.u32 v7, $0x1;
	v11 =	vcvt.s32.f32 v8  }
0x14e: {  	s1 =	simm.s32 $0x28E0;
	s0 =	simm.s32 $0x0;
	v18 =	vshll.u32 v9, $0x1;
	v14 =	vcvt.s32.f32 v9;
	v15 =	vsub.f32 $-5.000000000e-01, v15  }
.LBB2_17:
0x14f: {  	v19 =	vld [tilespmem:s1+$0x10];
	s0 =	sadd.s32 $0x4, s0;
	v18 =	vand.u32 $0x3F00, v18;
	v16 =	vand.u32 $0x3F00, v16;
	v20 =	vcvt.s32.f32 v7;
	[tilespmem:v10+s23+$0x0] =	vst.idx.msk $0xffff, v0  }
0x150: {  	v21 =	vand.u32 $0x7F, v9;
	v22 =	vand.u32 $0x7F, v8;
	v17 =	vand.u32 $0x3F00, v17;
	v10 =	vld [tilespmem:s1+$0xFFFFFFF0];
	p0 =	slt.u32 s0, $0x7C;
	[tilespmem:v13+s25+$0x0] =	vst.idx.msk $0xffff, v15  }
0x151: {  	v18 =	vor.u32 v21, v18;
	v16 =	vor.u32 v22, v16;
	v21 =	vand.u32 $0x7F, v7;
	v13 =	vld [tilespmem:s1+$0x0];
	[tilespmem:v12+s25+$0x0] =	vst.idx.msk $0xffff, v15  }
0x152: {  	v14 =	vsub.f32 $-5.000000000e-01, v14;
	v11 =	vsub.f32 $-5.000000000e-01, v11;
	v12 =	vld [tilespmem:s1+$0xFFFFFFE0];
	[tilespmem:v9+s23+$0x0] =	vst.idx.msk $0xffff, v0;
	v9 =	vor.u32 v21, v17  }
0x153: {  	v15 =	vor.u32 $0x80, v18;
	v21 =	vor.u32 $0x80, v16;
	v17 =	vsub.f32 $-5.000000000e-01, v20;
	[tilespmem:v8+s23+$0x0] =	vst.idx.msk $0xffff, v0  }
0x154: {  	vm0 =	vgt.s32 v19, $0x0;
	[tilespmem:v7+s23+$0x0] =	vst.idx.msk $0xffff, v0;
	v7 =	vor.u32 $0x80, v9  }
0x155: {  	vm1 =	vgt.s32 v10, $0x0;
	v8 =	vnsel vm0, $0x0, v19  }
0x156: {  	v19 =	vnsel vm1, $0x0, v10;
	vm0 =	vgt.s32 v13, $0x0;
	v10 =	vmin.u32 v8, $0x1FFF;
	[tilespmem:v18+s25+$0x0] =	vst.idx.msk $0xffff, v14  }
0x157: {  	vm1 =	vgt.s32 v12, $0x0;
	v18 =	vnsel vm0, $0x0, v13;
	v8 =	vshll.u32 v10, $0x1;
	[tilespmem:v9+s25+$0x0] =	vst.idx.msk $0xffff, v17  }
.Ltmp8:
0x158: {  	v9 =	vnsel vm1, $0x0, v12;
	v12 =	vand.u32 $0x7F, v10;
	v13 =	vand.u32 $0x3F00, v8;
	[tilespmem:v15+s25+$0x0] =	vst.idx.msk $0xffff, v14;
	(pc) =	sbr.rel @p0 .LBB2_17-.Ltmp8, $4  }
0x159: {  	v8 =	vmin.u32 v19, $0x1FFF;
	v9 =	vmin.u32 v9, $0x1FFF;
	v13 =	vor.u32 v12, v13;
	[tilespmem:v7+s25+$0x0] =	vst.idx.msk $0xffff, v17  }
0x15a: {  	v15 =	vcvt.s32.f32 v10;
	v7 =	vmin.u32 v18, $0x1FFF;
	v12 =	vor.u32 $0x80, v13;
	[tilespmem:v16+s25+$0x0] =	vst.idx.msk $0xffff, v11  }
0x15b: {  	v18 =	vshll.u32 v9, $0x1;
	v16 =	vshll.u32 v8, $0x1;
	v17 =	vshll.u32 v7, $0x1;
	[tilespmem:v21+s25+$0x0] =	vst.idx.msk $0xffff, v11  }
0x15c: {  	s1 =	sadd.s32 $0x40, s1;
	v14 =	vcvt.s32.f32 v9;
	v15 =	vsub.f32 $-5.000000000e-01, v15;
	v11 =	vcvt.s32.f32 v8  }
0x15d: {  	_ =	sdelay $0x3  }
0x15e: {  	v18 =	vand.u32 $0x3F00, v18;
	[tilespmem:v10+s23+$0x0] =	vst.idx.msk $0xffff, v0;
	v56 =	vand.u32 $0x7F, v9  }
0x15f: {  	v17 =	vand.u32 $0x3F00, v17;
	v57 =	vand.u32 $0x7F, v7;
	[tilespmem:v9+s23+$0x0] =	vst.idx.msk $0xffff, v0;
	v10 =	vor.u32 v56, v18  }
0x160: {  	v59 =	vand.u32 $0x3F00, v16;
	v62 =	vand.u32 $0x7F, v8;
	[tilespmem:v8+s23+$0x0] =	vst.idx.msk $0xffff, v0;
	v58 =	vor.u32 v57, v17  }
0x161: {  	v60 =	vcvt.s32.f32 v7;
	[tilespmem:v13+s25+$0x0] =	vst.idx.msk $0xffff, v15;
	v13 =	vor.u32 v62, v59  }
0x162: {  	[tilespmem:v7+s23+$0x0] =	vst.idx.msk $0xffff, v0;
	v14 =	vsub.f32 $-5.000000000e-01, v14;
	v61 =	vor.u32 $0x80, v10  }
0x163: {  	[tilespmem:v12+s25+$0x0] =	vst.idx.msk $0xffff, v15;
	v8 =	vor.u32 $0x80, v58;
	v15 =	vsub.f32 $-5.000000000e-01, v60  }
0x164: {  	v63 =	vsub.f32 $-5.000000000e-01, v11;
	v7 =	vor.u32 $0x80, v13;
	[tilespmem:v10+s25+$0x0] =	vst.idx.msk $0xffff, v14  }
.Ltmp9:
0x165: {  	[tilespmem:v58+s25+$0x0] =	vst.idx.msk $0xffff, v15;
	(pc) =	sbr.rel .LBB2_22-.Ltmp9, $4  }
0x166: {  	[tilespmem:v13+s25+$0x0] =	vst.idx.msk $0xffff, v63  }
0x167: {  	[tilespmem:v61+s25+$0x0] =	vst.idx.msk $0xffff, v14  }
0x168: {  	[tilespmem:v8+s25+$0x0] =	vst.idx.msk $0xffff, v15  }
0x169: {  	[tilespmem:v7+s25+$0x0] =	vst.idx.msk $0xffff, v63  }
.LBB2_19:
0x16a: {  	_ =	sdelay $0x2  }
0x16b: {  	s0 =	simm.s32 $0x2000;
	s1 =	simm.s32 $0x50C0  }
0x16c: {  	v6 =	vld.idx.msk [tilespmem:v6+s0+$0x0], $0xffff;
	[tilespmem:s1+$0x30] =	vst v0  }
0x16d: {  	s11 =	simm.s32 $0x10;
	[tilespmem:s1+$0x10] =	vst v0  }
0x16e: {  	s0 =	scvt.s32.f32 s11;
	[tilespmem:s1+$0xFFFFFFF0] =	vst v0  }
0x16f: {  	s2 =	simm.s32 $0x20;
	[tilespmem:s1+$0xFFFFFFD0] =	vst v0  }
0x170: {  	s12 =	simm.s32 $0x30;
	s2 =	scvt.s32.f32 s2;
	[tilespmem:s1+$0xFFFFFFE0] =	vst v0;
	v7 =	vadd.f32 s0, v1  }
0x171: {  	[tilespmem:s1+$0xFFFFFFC0] =	vst v0;
	s3 =	scvt.s32.f32 s12  }
0x172: {  	[tilespmem:s1+$0x20] =	vst v0;
	v8 =	vadd.f32 s2, v1;
	v7 =	vsub.f32 $-5.000000000e-01, v7  }
0x173: {  	s21 =	simm.s32 $0x60;
	[tilespmem:s1+$0x0] =	vst v0;
	s0 =	simm.s32 $0xF100;
	v9 =	vadd.f32 s3, v1  }
0x174: {  	s13 =	simm.s32 $0x40;
	s26 =	scvt.s32.f32 s21;
	v8 =	vsub.f32 $-5.000000000e-01, v8;
	[tilespmem:s0+$0xFFFFFF90] =	vst v7  }
0x175: {  	s14 =	scvt.s32.f32 s13;
	v9 =	vsub.f32 $-5.000000000e-01, v9;
	[tilespmem:s0+$0x10] =	vst v7  }
0x176: {  	s19 =	simm.s32 $0x50;
	v63 =	vadd.f32 s26, v1;
	[tilespmem:s0+$0xFFFFFFA0] =	vst v8  }
0x177: {  	s20 =	scvt.s32.f32 s19;
	v7 =	vadd.f32 s14, v1;
	[tilespmem:s0+$0xFFFFFFB0] =	vst v9  }
0x178: {  	[tilespmem:s0+$0x30] =	vst v9;
	v9 =	vsub.f32 $-5.000000000e-01, v63  }
0x179: {  	s29 =	simm.s32 $0x0;
	[tilespmem:s0+$0x20] =	vst v8;
	v8 =	vadd.f32 s20, v1;
	v7 =	vsub.f32 $-5.000000000e-01, v7  }
0x17a: {  	s31 =	scvt.s32.f32 s29;
	[tilespmem:s0+$0xFFFFFFE0] =	vst v9  }
0x17b: {  	s28 =	simm.s32 $0x70;
	v8 =	vsub.f32 $-5.000000000e-01, v8;
	[tilespmem:s0+$0xFFFFFFC0] =	vst v7  }
0x17c: {  	s30 =	scvt.s32.f32 s28;
	v10 =	vadd.f32 s31, v1;
	[tilespmem:s0+$0x40] =	vst v7  }
0x17d: {  	[tilespmem:s0+$0xFFFFFFD0] =	vst v8  }
0x17e: {  	v7 =	vadd.f32 s30, v1;
	[tilespmem:s0+$0x50] =	vst v8;
	v8 =	vsub.f32 $-5.000000000e-01, v10  }
0x17f: {  	[tilespmem:s0+$0x60] =	vst v9  }
0x180: {  	v7 =	vsub.f32 $-5.000000000e-01, v7;
	[tilespmem:s0+$0xFFFFFF80] =	vst v8  }
0x181: {  	s4 =	simm.s32 $0x5140;
	[tilespmem:s0+$0x0] =	vst v8  }
0x182: {  	s1 =	simm.s32 $0x0;
	s2 =	simm.s32 $0xF0;
	s3 =	simm.s32 $0xF200;
	[tilespmem:s0+$0xFFFFFFF0] =	vst v7  }
.LBB2_20:
0x183: {  	s5 =	sadd.s32 $0xFFFFFF90, s2;
	s6 =	sadd.s32 $0xFFFFFFB0, s2;
	s7 =	sadd.s32 $0xFFFFFFC0, s2;
	[tilespmem:s0+$0x70] =	vst v7  }
0x184: {  	s6 =	scvt.s32.f32 s6;
	s0 =	scvt.s32.f32 s7;
	s7 =	sadd.s32 $0xFFFFFFD0, s2;
	[tilespmem:s4+$0x30] =	vst v0  }
0x185: {  	s8 =	sadd.s32 $0xFFFFFFA0, s2;
	s5 =	scvt.s32.f32 s5;
	s7 =	scvt.s32.f32 s7;
	[tilespmem:s4+$0x10] =	vst v0  }
0x186: {  	s1 =	sadd.s32 $0x8, s1;
	s8 =	scvt.s32.f32 s8;
	[tilespmem:s4+$0xFFFFFFF0] =	vst v0;
	v7 =	vadd.f32 s0, v1;
	s0 =	smov.u32 s3  }
0x187: {  	p0 =	slt.u32 s1, $0x1F8;
	v8 =	vadd.f32 s5, v1;
	[tilespmem:s4+$0xFFFFFFD0] =	vst v0;
	v9 =	vadd.f32 s7, v1  }
0x188: {  	v10 =	vadd.f32 s8, v1;
	[tilespmem:s4+$0xFFFFFFE0] =	vst v0  }
0x189: {  	[tilespmem:s4+$0xFFFFFFC0] =	vst v0  }
0x18a: {  	v11 =	vadd.f32 s6, v1;
	v10 =	vsub.f32 $-5.000000000e-01, v10;
	[tilespmem:s4+$0x20] =	vst v0  }
0x18b: {  	[tilespmem:s4+$0x0] =	vst v0  }
0x18c: {  	v11 =	vsub.f32 $-5.000000000e-01, v11;
	[tilespmem:s3+$0xFFFFFF90] =	vst v10  }
0x18d: {  	s5 =	sadd.s32 $0xFFFFFFE0, s2;
	[tilespmem:s3+$0x10] =	vst v10  }
0x18e: {  	s5 =	scvt.s32.f32 s5;
	v7 =	vsub.f32 $-5.000000000e-01, v7;
	[tilespmem:s3+$0xFFFFFFA0] =	vst v11  }
0x18f: {  	s6 =	sadd.s32 $0xFFFFFFF0, s2;
	[tilespmem:s3+$0x20] =	vst v11  }
0x190: {  	v9 =	vsub.f32 $-5.000000000e-01, v9;
	v10 =	vadd.f32 s5, v1;
	s5 =	scvt.s32.f32 s6;
	[tilespmem:s3+$0xFFFFFFB0] =	vst v7  }
0x191: {  	[tilespmem:s3+$0x30] =	vst v7  }
0x192: {  	v7 =	vsub.f32 $-5.000000000e-01, v10;
	v10 =	vadd.f32 s5, v1;
	s5 =	scvt.s32.f32 s2;
	[tilespmem:s3+$0xFFFFFFC0] =	vst v9  }
0x193: {  	[tilespmem:s3+$0x40] =	vst v9  }
0x194: {  	v9 =	vsub.f32 $-5.000000000e-01, v10;
	v10 =	vadd.f32 s5, v1;
	[tilespmem:s3+$0xFFFFFFD0] =	vst v7  }
0x195: {  	[tilespmem:s3+$0x50] =	vst v7  }
.Ltmp10:
0x196: {  	v7 =	vsub.f32 $-5.000000000e-01, v10;
	[tilespmem:s3+$0xFFFFFFE0] =	vst v9;
	(pc) =	sbr.rel @p0 .LBB2_20-.Ltmp10, $4  }
0x197: {  	v8 =	vsub.f32 $-5.000000000e-01, v8;
	[tilespmem:s3+$0x60] =	vst v9  }
0x198: {  	[tilespmem:s3+$0xFFFFFFF0] =	vst v7  }
0x199: {  	[tilespmem:s3+$0xFFFFFF80] =	vst v8  }
0x19a: {  	s4 =	sadd.s32 $0x80, s4;
	s2 =	sadd.s32 $0x80, s2;
	s3 =	sadd.s32 $0x100, s3;
	[tilespmem:s0+$0x0] =	vst v8  }
0x19b: {  	[tilespmem:s0+$0x70] =	vst v7  }
.LBB2_22:
0x19c: {  	s0 =	simm.s32 $0x70  }
0x19d: {  	s1 =	simm.s32 $0x10;
	s2 =	simm.s32 $0x60;
	s28 =	simm.s32 $0x30;
	v7 =	vor.u32 s0, v2  }
0x19e: {  	s26 =	simm.s32 $0x20;
	s30 =	simm.s32 $0x40;
	v8 =	vor.u32 s1, v2;
	v9 =	vor.u32 s2, v2;
	v10 =	vor.u32 s28, v2  }
0x19f: {  	s29 =	simm.s32 $0x0;
	v11 =	vor.u32 s30, v2;
	vm0 =	vgt.s32 v7, v6;
	v7 =	vor.u32 s26, v2  }
0x1a0: {  	s31 =	simm.s32 $0x50;
	vm1 =	vgt.s32 v9, v6;
	v9 =	vor.u32 s29, v2;
	vm2 =	vgt.s32 v8, v6  }
0x1a1: {  	v8 =	vor.u32 s31, v2;
	vm4 =	vgt.s32 v10, v6;
	vm5 =	vgt.s32 v11, v6  }
0x1a2: {  	s0 =	simm.s32 $0x90C0;
	v12 =	vsel vm1, $0x3E4CCCCD, v3;
	vm1 =	vgt.s32 v9, v6;
	vm3 =	vgt.s32 v7, v6  }
0x1a3: {  	v10 =	vsel vm2, $0x3E4CCCCD, v3;
	[tilespmem:s0+$0x20] =	vst v12;
	v7 =	vsel vm1, $0x3E4CCCCD, v3;
	vm1 =	vgt.s32 v8, v6  }
0x1a4: {  	s3 =	simm.s32 $0xF0;
	s2 =	simm.s32 $0x0;
	s1 =	simm.s32 $0x90C0;
	v9 =	vsel vm3, $0x3E4CCCCD, v3;
	v8 =	vsel vm4, $0x3E4CCCCD, v3;
	[tilespmem:s0+$0xFFFFFFC0] =	vst v7;
	v7 =	vsel vm5, $0x3E4CCCCD, v3  }
.LBB2_23:
0x1a5: {  	s4 =	sadd.s32 $0xFFFFFFA0, s3;
	s5 =	sadd.s32 $0xFFFFFFF0, s3;
	v11 =	vor.u32 s3, v2;
	s2 =	sadd.s32 $0x8, s2;
	[tilespmem:s0+$0xFFFFFFD0] =	vst v10;
	v10 =	vsel vm1, $0x3E4CCCCD, v3;
	v12 =	vsel vm0, $0x3E4CCCCD, v3  }
0x1a6: {  	s6 =	sadd.s32 $0xFFFFFFC0, s3;
	v13 =	vor.u32 s4, v2;
	s4 =	sadd.s32 $0xFFFFFFB0, s3;
	v14 =	vor.u32 s5, v2;
	vm0 =	vgt.s32 v11, v6;
	p0 =	slt.u32 s2, $0x1F8;
	[tilespmem:s0+$0xFFFFFFE0] =	vst v9  }
0x1a7: {  	s5 =	sadd.s32 $0xFFFFFF90, s3;
	v11 =	vor.u32 s6, v2;
	s6 =	sadd.s32 $0xFFFFFFE0, s3;
	v9 =	vor.u32 s4, v2;
	s4 =	sadd.s32 $0xFFFFFFD0, s3;
	vm1 =	vgt.s32 v14, v6;
	[tilespmem:s0+$0xFFFFFFF0] =	vst v8  }
.Ltmp11:
0x1a8: {  	v8 =	vor.u32 s5, v2;
	s0 =	sadd.s32 $0x80, s0;
	v14 =	vor.u32 s4, v2;
	v15 =	vsel vm1, $0x3E4CCCCD, v3;
	[tilespmem:s1+$0x0] =	vst v7;
	(pc) =	sbr.rel @p0 .LBB2_23-.Ltmp11, $4  }
0x1a9: {  	vm2 =	vgt.s32 v13, v6;
	vm1 =	vgt.s32 v8, v6;
	v7 =	vor.u32 s6, v2;
	[tilespmem:s0+$0x20] =	vst v15  }
0x1aa: {  	vm4 =	vgt.s32 v11, v6;
	vm3 =	vgt.s32 v9, v6;
	vm5 =	vgt.s32 v14, v6;
	[tilespmem:s1+$0x10] =	vst v10  }
0x1ab: {  	v8 =	vsel vm1, $0x3E4CCCCD, v3;
	vm1 =	vgt.s32 v7, v6;
	v10 =	vsel vm2, $0x3E4CCCCD, v3;
	[tilespmem:s1+$0x30] =	vst v12;
	s1 =	smov.u32 s0  }
0x1ac: {  	s3 =	sadd.s32 $0x80, s3;
	v9 =	vsel vm3, $0x3E4CCCCD, v3;
	v7 =	vsel vm5, $0x3E4CCCCD, v3;
	[tilespmem:s0+$0xFFFFFFC0] =	vst v8;
	v8 =	vsel vm4, $0x3E4CCCCD, v3  }
0x1ad: {  	[tilespmem:s0+$0xFFFFFFD0] =	vst v10  }
0x1ae: {  	[tilespmem:s0+$0xFFFFFFE0] =	vst v9  }
0x1af: {  	[tilespmem:s0+$0xFFFFFFF0] =	vst v8  }
0x1b0: {  	v6 =	vsel vm1, $0x3E4CCCCD, v3;
	[tilespmem:s1+$0x0] =	vst v7  }
0x1b1: {  	v7 =	vsel vm0, $0x3E4CCCCD, v3;
	[tilespmem:s1+$0x10] =	vst v6  }
0x1b2: {  	s10 =	simm.s32 $0x0;
	s2 =	simm.s32 $0x2;
	[tilespmem:s1+$0x30] =	vst v7  }
0x1b3: {  	s8 =	sand.u32 $0x40, s10;
	s11 =	sand.u32 $0xF00, s10;
	_ =	swait.ge [sflag:s2], $0x1000  }
0x1b4: {  	s3 =	sor.u32 $0x1000, s11;
	s9 =	sor.u32 $0x30, s8;
	[sflag:s2] =	ssyncset.done $0x0  }
0x1b5: {  	s1 =	sor.u32 s9, s3;
	[sflag:s2] =	ssyncadd.s32 $0xFFFFF000  }
0x1b6: {  	v6 =	vld [tilespmem:s1+$0x0]  }
0x1b7: {  	s12 =	sor.u32 s8, s3;
	v7 =	vld [tilespmem:s1+$0x80]  }
0x1b8: {  	s19 =	sor.u32 $0x10, s8;
	v8 =	vld [tilespmem:s12+$0x0];
	[dreg:$0x14] =	wrdreg s12  }
0x1b9: {  	s13 =	sor.u32 s19, s3;
	v9 =	vld [tilespmem:s12+$0x80]  }
0x1ba: {  	v10 =	vld [tilespmem:s13+$0x0]  }
0x1bb: {  	s26 =	simm.s32 $0x40;
	s11 =	sor.u32 $0x20, s8;
	s12 =	simm.s32 $0x80;
	v11 =	vld [tilespmem:s13+$0x80]  }
0x1bc: {  	s20 =	sand.u32 $0x40, s26;
	s14 =	sor.u32 s11, s3;
	s21 =	sand.u32 $0xF00, s12  }
0x1bd: {  	s6 =	sor.u32 $0x30, s20;
	v12 =	vld [tilespmem:s14+$0x0];
	s0 =	sor.u32 $0x1000, s21  }
0x1be: {  	s4 =	sor.u32 s6, s0;
	v6 =	vadd.f32 v7, v6;
	v7 =	vld [tilespmem:s14+$0x80]  }
0x1bf: {  	v13 =	vld [tilespmem:s4+$0x0];
	v8 =	vadd.f32 v9, v8  }
0x1c0: {  	s28 =	sor.u32 s20, s0;
	v9 =	vld [tilespmem:s4+$0x80];
	v10 =	vadd.f32 v11, v10;
	v6 =	vmul.f32 $3.125000000e-02, v6  }
0x1c1: {  	s5 =	sor.u32 $0x10, s20;
	v14 =	vld [tilespmem:s28+$0x0];
	[dreg:$0x11] =	wrdreg s28;
	v8 =	vmul.f32 $3.125000000e-02, v8  }
0x1c2: {  	s29 =	sor.u32 s5, s0;
	v15 =	vld [tilespmem:s28+$0x80];
	v10 =	vmul.f32 $3.125000000e-02, v10;
	v11 =	vtrunc.f32 v6  }
0x1c3: {  	s14 =	sor.u32 $0x20, s20;
	vm0 =	vlt.f32 v6, $0.0e+00;
	v6 =	vld [tilespmem:s29+$0x0];
	[dreg:$0x10] =	wrdreg s0;
	v11 =	vcvt.f32.s32 v11;
	v7 =	vadd.f32 v7, v12  }
0x1c4: {  	s7 =	simm.s32 $0x100;
	s1 =	sor.u32 s14, s0;
	s4 =	simm.s32 $0x80;
	vm1 =	vlt.f32 v8, $0.0e+00;
	v8 =	vtrunc.f32 v8;
	v12 =	vld [tilespmem:s29+$0x80];
	v16 =	vtrunc.f32 v10  }
0x1c5: {  	s7 =	sand.u32 $0xF00, s7;
	s8 =	sand.u32 $0x40, s4;
	v62 =	vld [tilespmem:s1+$0x80];
	v9 =	vadd.f32 v9, v13;
	v8 =	vcvt.f32.s32 v8;
	v11 =	vsel vm0, $0xFFFFFFFF, v11  }
0x1c6: {  	s7 =	sor.u32 $0x1000, s7;
	s13 =	sand.u32 $0x780, s10;
	s30 =	sor.u32 $0x30, s8;
	v13 =	vld [tilespmem:s1+$0x0];
	v7 =	vmul.f32 $3.125000000e-02, v7;
	vm0 =	vlt.f32 v10, $0.0e+00;
	v10 =	vcvt.f32.s32 v16  }
0x1c7: {  	s26 =	sand.u32 $0x780, s26;
	s20 =	sadd.s32 $0x2880, s13;
	s31 =	sor.u32 s30, s7;
	v14 =	vadd.f32 v15, v14;
	v17 =	vmul.f32 $3.125000000e-02, v9;
	v8 =	vsel vm1, $0xFFFFFFFF, v8  }
0x1c8: {  	s21 =	simm.s32 $0x8;
	s13 =	simm.s32 $0x4;
	s9 =	sor.u32 s9, s20;
	v9 =	vld [tilespmem:s31+$0x80];
	v15 =	vtrunc.f32 v7;
	vm2 =	vlt.f32 v7, $0.0e+00;
	v10 =	vsel vm0, $0xFFFFFFFF, v10  }
0x1c9: {  	s19 =	sor.u32 s19, s20;
	s2 =	sor.u32 s8, s7;
	s1 =	simm.s32 $0x2880;
	[tilespmem:s9+$0x0] =	vst v11;
	v7 =	vld [tilespmem:s31+$0x0];
	v15 =	vcvt.f32.s32 v15;
	v11 =	vadd.f32 v12, v6;
	v12 =	vtrunc.f32 v17  }
0x1ca: {  	s20 =	sor.u32 s11, s20;
	s29 =	sadd.s32 $0x2880, s26;
	s31 =	sor.u32 $0x10, s8;
	v14 =	vmul.f32 $3.125000000e-02, v14;
	[tilespmem:s1+$0x0] =	vst v8;
	v6 =	vld [tilespmem:s2+$0x0];
	vm1 =	vlt.f32 v17, $0.0e+00;
	v18 =	vcvt.f32.s32 v12  }
0x1cb: {  	s11 =	sor.u32 $0x20, s8;
	s5 =	sor.u32 s5, s29;
	s28 =	sor.u32 s31, s7;
	[tilespmem:s19+$0x0] =	vst v10;
	v10 =	vld [tilespmem:s2+$0x80];
	v13 =	vadd.f32 v62, v13;
	v8 =	vsel vm2, $0xFFFFFFFF, v15;
	v15 =	vmul.f32 $3.125000000e-02, v11  }
0x1cc: {  	s14 =	sor.u32 s14, s29;
	s6 =	sor.u32 s6, s29;
	s9 =	sor.u32 s11, s7;
	vm0 =	vlt.f32 v14, $0.0e+00;
	v12 =	vtrunc.f32 v14;
	v11 =	vld [tilespmem:s28+$0x80];
	[tilespmem:s20+$0x0] =	vst v8;
	v63 =	vsel vm1, $0xFFFFFFFF, v18  }
0x1cd: {  	s19 =	simm.s32 $0x180;
	v8 =	vld [tilespmem:s28+$0x0];
	s20 =	simm.s32 $0xC0;
	v13 =	vmul.f32 $3.125000000e-02, v13;
	vm1 =	vlt.f32 v15, $0.0e+00;
	v14 =	vtrunc.f32 v15;
	[tilespmem:s6+$0x0] =	vst v63;
	s6 =	simm.s32 $0x80  }
.LBB2_25:
0x1ce: {  	s7 =	sand.u32 $0x40, s20;
	s8 =	sand.u32 $0xF00, s19;
	s1 =	sadd.s32 $0x40, s1  }
0x1cf: {  	v15 =	vld [tilespmem:s9+$0x0];
	v7 =	vadd.f32 v9, v7;
	v9 =	vcvt.f32.s32 v12;
	v12 =	vcvt.f32.s32 v14;
	s10 =	smov.u32 s30;
	s26 =	smov.u32 s31;
	s2 =	smov.u32 s11  }
0x1d0: {  	s21 =	sadd.s32 $0x4, s21;
	s8 =	sor.u32 $0x1000, s8;
	s30 =	sor.u32 $0x30, s7;
	v14 =	vld [tilespmem:s9+$0x80];
	vm2 =	vlt.f32 v13, $0.0e+00;
	v13 =	vtrunc.f32 v13  }
0x1d1: {  	s31 =	sor.u32 $0x10, s7;
	p0 =	slt.u32 s21, $0x7C;
	s28 =	sor.u32 s30, s8;
	v6 =	vadd.f32 v10, v6;
	v16 =	vmul.f32 $3.125000000e-02, v7;
	v10 =	vcvt.f32.s32 v13  }
0x1d2: {  	s11 =	sor.u32 $0x20, s7;
	s29 =	sor.u32 s7, s8;
	s0 =	sor.u32 s31, s8;
	v13 =	vsel vm0, $0xFFFFFFFF, v9;
	v12 =	vsel vm1, $0xFFFFFFFF, v12;
	v7 =	vld [tilespmem:s28+$0x0]  }
.Ltmp12:
0x1d3: {  	s9 =	sor.u32 s11, s8;
	v9 =	vld [tilespmem:s28+$0x80];
	v17 =	vmul.f32 $3.125000000e-02, v6;
	v8 =	vadd.f32 v11, v8;
	v11 =	vtrunc.f32 v16;
	[tilespmem:s1+$0x0] =	vst v13;
	(pc) =	sbr.rel @p0 .LBB2_25-.Ltmp12, $4  }
0x1d4: {  	s7 =	sand.u32 $0x780, s6;
	s6 =	smov.u32 s20;
	v6 =	vld [tilespmem:s29+$0x0];
	v11 =	vcvt.f32.s32 v11;
	[tilespmem:s5+$0x0] =	vst v12;
	v12 =	vsel vm2, $0xFFFFFFFF, v10  }
0x1d5: {  	s7 =	sadd.s32 $0x2880, s7;
	vm1 =	vlt.f32 v16, $0.0e+00;
	v10 =	vld [tilespmem:s29+$0x80];
	v13 =	vmul.f32 $3.125000000e-02, v8;
	v15 =	vadd.f32 v14, v15;
	[tilespmem:s14+$0x0] =	vst v12  }
0x1d6: {  	s5 =	sor.u32 s26, s7;
	vm0 =	vlt.f32 v17, $0.0e+00;
	v12 =	vtrunc.f32 v17;
	s14 =	sor.u32 s2, s7;
	s2 =	sor.u32 s10, s7;
	v8 =	vld [tilespmem:s0+$0x0];
	v16 =	vsel vm1, $0xFFFFFFFF, v11  }
0x1d7: {  	s19 =	sadd.s32 $0x80, s19;
	s20 =	sadd.s32 $0x40, s20;
	v11 =	vld [tilespmem:s0+$0x80];
	vm1 =	vlt.f32 v13, $0.0e+00;
	v14 =	vtrunc.f32 v13;
	v13 =	vmul.f32 $3.125000000e-02, v15;
	[tilespmem:s2+$0x0] =	vst v16  }
0x1d8: {  	v15 =	vld [tilespmem:s9+$0x0]  }
0x1d9: {  	v7 =	vadd.f32 v9, v7;
	v9 =	vcvt.f32.s32 v12;
	v12 =	vcvt.f32.s32 v14;
	v14 =	vld [tilespmem:s9+$0x80]  }
0x1da: {  	v16 =	vtrunc.f32 v13;
	vm2 =	vlt.f32 v13, $0.0e+00  }
0x1db: {  	v7 =	vmul.f32 $3.125000000e-02, v7;
	v6 =	vadd.f32 v10, v6;
	v10 =	vcvt.f32.s32 v16  }
0x1dc: {  	v9 =	vsel vm0, $0xFFFFFFFF, v9;
	v12 =	vsel vm1, $0xFFFFFFFF, v12;
	v8 =	vadd.f32 v11, v8  }
0x1dd: {  	v11 =	vtrunc.f32 v7;
	v6 =	vmul.f32 $3.125000000e-02, v6;
	v10 =	vsel vm2, $0xFFFFFFFF, v10  }
0x1de: {  	vm0 =	vlt.f32 v7, $0.0e+00;
	v11 =	vcvt.f32.s32 v11;
	v13 =	vadd.f32 v14, v15  }
0x1df: {  	s0 =	sadd.s32 $0x40, s1;
	s2 =	simm.s32 $0x30;
	v8 =	vmul.f32 $3.125000000e-02, v8;
	vm1 =	vlt.f32 v6, $0.0e+00;
	v6 =	vtrunc.f32 v6  }
0x1e0: {  	s21 =	sand.u32 $0x780, s6;
	[tilespmem:s0+$0x0] =	vst v9;
	v7 =	vsel vm0, $0xFFFFFFFF, v11;
	v9 =	vmul.f32 $3.125000000e-02, v13;
	v11 =	vadd.s32 s2, v4  }
0x1e1: {  	s1 =	sadd.s32 $0x2880, s21;
	[tilespmem:s5+$0x0] =	vst v12;
	v6 =	vcvt.f32.s32 v6;
	v12 =	vtrunc.f32 v8;
	vm0 =	vgt.s32 v11, $0x0  }
0x1e2: {  	s26 =	sor.u32 s30, s1;
	[tilespmem:s14+$0x0] =	vst v10;
	v10 =	vcvt.f32.s32 v12;
	v12 =	vtrunc.f32 v9;
	v11 =	vnsel vm0, $0x0, v11  }
0x1e3: {  	s8 =	simm.s32 $0x0;
	p0 =	por $0x0, $0x0;
	s0 =	sadd.s32 $0x40, s0;
	[tilespmem:s26+$0x0] =	vst v7;
	vm0 =	vlt.f32 v8, $0.0e+00;
	v6 =	vsel vm1, $0xFFFFFFFF, v6;
	v7 =	vcvt.f32.s32 v12  }
0x1e4: {  	s9 =	simm.s32 $0x20;
	s7 =	sand.u32 $0x7, s8;
	s29 =	sor.u32 s31, s1;
	vm1 =	vlt.f32 v9, $0.0e+00;
	[tilespmem:s0+$0x0] =	vst v6;
	v8 =	vsel vm0, $0xFFFFFFFF, v10  }
0x1e5: {  	s6 =	simm.s32 $0x1;
	s30 =	sor.u32 s11, s1;
	s7 =	sshll.u32 s7, $0x4;
	[tilespmem:s29+$0x0] =	vst v8;
	v7 =	vsel vm1, $0xFFFFFFFF, v7  }
0x1e6: {  	s6 =	simm.s32 @!p0 $0x0;
	s31 =	simm.s32 $0x28A0;
	s7 =	sadd.s32 $0x0, s7;
	[tilespmem:s30+$0x0] =	vst v7  }
0x1e7: {  	s1 =	simm.s32 $0x10;
	s19 =	sshll.u32 s6, $0x6;
	s11 =	sadd.s32 $0x30, s7;
	v8 =	vld.idx.msk [tilespmem:v11+s22+$0x0], $0xffff  }
0x1e8: {  	s21 =	sadd.s32 $0x0, s19;
	s7 =	sadd.s32 $0x10, s7;
	s14 =	sor.u32 $0x80, s11;
	v6 =	vadd.s32 s8, v4;
	v21 =	vld [tilespmem:s31+$0x10]  }
0x1e9: {  	s2 =	sand.u32 $0x70, s2;
	v9 =	vadd.s32 s1, v4;
	s0 =	sor.u32 $0x80, s21;
	vm0 =	vgt.s32 v6, $0x0;
	s30 =	sand.u32 $0x50, s1;
	v20 =	vld [tilespmem:s31+$0xFFFFFFE0]  }
0x1ea: {  	v10 =	vadd.s32 s9, v4;
	v7 =	vnsel vm0, $0x0, v6;
	s1 =	sand.u32 $0x60, s9;
	s9 =	simm.s32 $0x60;
	v6 =	vld [tilespmem:s31+$0xFFFFFFF0];
	v11 =	vmov s8;
	s8 =	sand.u32 $0x3, s8  }
0x1eb: {  	s10 =	sor.u32 s2, s3;
	vm1 =	vgt.s32 v10, $0x0;
	vm0 =	vgt.s32 v9, $0x0;
	v24 =	vld [tilespmem:s0+$0x1000];
	s0 =	sor.u32 s30, s3;
	v32 =	vadd.s32 s9, v4;
	s8 =	sshll.u32 s8, $0x5  }
0x1ec: {  	v9 =	vnsel vm0, $0x0, v9;
	v14 =	vld [tilespmem:s14+$0x1000];
	s1 =	sor.u32 s1, s3;
	s3 =	simm.s32 $0x28E0;
	vm0 =	veq.s32 v11, v2;
	vm5 =	vgt.s32 v32, $0x0;
	s8 =	sadd.s32 $0x0, s8  }
0x1ed: {  	s7 =	sor.u32 $0x80, s7;
	v10 =	vnsel vm1, $0x0, v10;
	v38 =	vld [tilespmem:s3+$0x10];
	vm0 =	vmmov vm0;
	v32 =	vnsel vm5, $0x0, v32;
	s20 =	sadd.s32 $0x20, s8;
	s8 =	simm.s32 $0x70  }
0x1ee: {  	v15 =	vld [tilespmem:s7+$0x1000];
	v31 =	vadd.s32 s8, v4;
	vm1 =	vne.s32 v21, v8;
	vm2 =	vlt.u32 v21, $0x2000  }
0x1ef: {  	v12 =	vld.idx.msk [tilespmem:v7+s22+$0x0], $0xffff;
	v11 =	vcvt.s32.f32 v20;
	v13 =	vshll.u32 v20, $0x1;
	v16 =	vcvt.s32.f32 v6  }
0x1f0: {  	v8 =	vld [tilespmem:s10+$0x0];
	v17 =	vshll.u32 v6, $0x1;
	v18 =	vshll.u32 v21, $0x1;
	v22 =	vcvt.s32.f32 v21  }
0x1f1: {  	v7 =	vld [tilespmem:s31+$0x0];
	v23 =	vand.u32 $0x7F, v21;
	v35 =	vand.u32 $0x7F, v6;
	vm6 =	vlt.u32 v6, $0x2000  }
0x1f2: {  	s26 =	sor.u32 $0x80, s20;
	vm4 =	vmand vm2, vm1;
	v18 =	vand.u32 $0xFFFFFF00, v18;
	v62 =	vand.u32 $0x7F, v38  }
0x1f3: {  	v19 =	vld [tilespmem:s26+$0x1000];
	v27 =	vor.u32 v23, v18;
	v22 =	vadd.f32 $5.000000000e-01, v22;
	v23 =	vadd.f32 $5.000000000e-01, v11  }
0x1f4: {  	v10 =	vld.idx.msk [tilespmem:v10+s22+$0x0], $0xffff;
	v29 =	vadd.f32 $5.000000000e-01, v16;
	v11 =	vmul.f32 $6.250000000e-02, v14;
	v14 =	vmul.f32 $6.250000000e-02, v15  }
0x1f5: {  	s31 =	simm.s32 $0x40;
	v15 =	vmul.f32 $6.250000000e-02, v24;
	v16 =	vand.u32 $0xFFFFFF00, v17;
	v8 =	vmul.f32 $6.250000000e-02, v8  }
0x1f6: {  	v17 =	vmov s31;
	v28 =	vor.u32 $0x80, v27;
	v25 =	vcvt.s32.f32 v7  }
0x1f7: {  	s29 =	rddreg [dreg:$0x14];
	v9 =	vld.idx.msk [tilespmem:v9+s22+$0x0], $0xffff;
	v26 =	vshll.u32 v7, $0x1;
	vm1 =	vne.s32 v20, v12;
	v30 =	vsub.f32 v8, v22  }
0x1f8: {  	v18 =	vld [tilespmem:s29+$0x0];
	v8 =	vand.u32 $0xFFFFFF00, v13;
	v13 =	vmul.f32 $6.250000000e-02, v19;
	v19 =	vadd.s32 s31, v4  }
0x1f9: {  	v12 =	vld [tilespmem:s1+$0x0];
	s1 =	simm.s32 $0x50;
	v36 =	vand.u32 $0x7F, v7;
	vm5 =	vne.s32 v7, v10;
	vm2 =	vgt.s32 v19, $0x0  }
0x1fa: {  	v24 =	vadd.s32 s1, v4;
	v19 =	vnsel vm2, $0x0, v19;
	vm2 =	vgt.s32 v31, $0x0  }
0x1fb: {  	v26 =	vand.u32 $0xFFFFFF00, v26;
	vm0 =	vmor vm0, vm1;
	v31 =	vnsel vm2, $0x0, v31  }
0x1fc: {  	v10 =	vld [tilespmem:s3+$0x0];
	vm1 =	vne.s32 v6, v9;
	v25 =	vadd.f32 $5.000000000e-01, v25;
	vm3 =	vgt.s32 v24, $0x0  }
0x1fd: {  	s26 =	simm.s32 $0x4;
	v9 =	vld [tilespmem:s3+$0xFFFFFFE0];
	vm1 =	vmand vm6, vm1;
	vm6 =	vlt.u32 v38, $0x2000;
	v22 =	vsub.f32 v11, v22  }
0x1fe: {  	s10 =	sand.u32 $0x7, s26;
	v11 =	vld [tilespmem:s0+$0x0];
	v18 =	vmul.f32 $6.250000000e-02, v18;
	v24 =	vnsel vm3, $0x0, v24;
	vm3 =	veq.s32 v17, v2  }
0x1ff: {  	s14 =	rddreg [dreg:$0x10];
	s6 =	sshll.u32 s10, $0x4;
	v17 =	vsub.f32 v15, v23;
	v15 =	vor.u32 v35, v16;
	[tilespmem:v21+s23+$0x0] =	vst.idx.msk vm4, v3;
	vm3 =	vmmov vm3  }
0x200: {  	s28 =	simm.s32 $0x2;
	s6 =	sadd.s32 $0x80, s6;
	[tilespmem:v21+s24+$0x0] =	vst.idx.msk vm4, v5;
	v21 =	vshll.u32 v38, $0x1;
	v34 =	vmul.f32 $6.250000000e-02, v12;
	vm2 =	vlt.u32 v20, $0x2000;
	v31 =	vld.idx.msk [tilespmem:v31+s22+$0x0], $0xffff  }
0x201: {  	p0 =	por !p0, !p0;
	s11 =	sand.u32 $0x3, s28;
	s19 =	sadd.s32 $0x30, s6;
	v16 =	vld [tilespmem:s3+$0xFFFFFFF0];
	v12 =	vsub.f32 v14, v29;
	[tilespmem:v27+s25+$0x0] =	vst.idx.msk vm4, v30;
	v21 =	vand.u32 $0xFFFFFF00, v21;
	vm2 =	vmand vm2, vm0  }
0x202: {  	s7 =	sshll.u32 s11, $0x5;
	s6 =	sadd.s32 $0x10, s6;
	s20 =	sor.u32 $0x80, s19;
	v42 =	vcvt.s32.f32 v10;
	v60 =	vshll.u32 v9, $0x1;
	[tilespmem:v28+s25+$0x0] =	vst.idx.msk vm4, v22;
	v22 =	vcvt.s32.f32 v38  }
0x203: {  	s7 =	sadd.s32 $0x80, s7;
	s6 =	sor.u32 $0x80, s6;
	v61 =	vld [tilespmem:s20+$0x1000];
	s0 =	sand.u32 $0x70, s8;
	vm0 =	vlt.u32 v7, $0x2000;
	v33 =	vmul.f32 $6.250000000e-02, v11;
	v11 =	vand.u32 $0x7F, v20  }
0x204: {  	s2 =	simm.s32 $0x1;
	s7 =	sadd.s32 $0x20, s7;
	s0 =	sor.u32 s0, s14;
	v27 =	vld [tilespmem:s6+$0x1000];
	vm0 =	vmand vm0, vm5;
	v37 =	vor.u32 v11, v8;
	v11 =	vor.u32 v36, v26  }
0x205: {  	s2 =	simm.s32 @!p0 $0x0;
	s29 =	sor.u32 $0x80, s7;
	v26 =	vsub.f32 v18, v23;
	v18 =	vsub.f32 v33, v29;
	v29 =	vld [tilespmem:s0+$0x0];
	vm5 =	vne.s32 v38, v31  }
0x206: {  	s2 =	sshll.u32 s2, $0x6;
	v28 =	vld [tilespmem:s29+$0x1000];
	v43 =	vor.u32 v62, v21;
	v30 =	vcvt.s32.f32 v16;
	vm5 =	vmand vm6, vm5  }
0x207: {  	s21 =	sadd.s32 $0x80, s2;
	v8 =	vsub.f32 v13, v25;
	v13 =	vsub.f32 v34, v25;
	v34 =	vld.idx.msk [tilespmem:v32+s22+$0x0], $0xffff;
	[tilespmem:v20+s23+$0x0] =	vst.idx.msk vm2, v3  }
0x208: {  	v40 =	vshll.u32 v16, $0x1;
	v44 =	vadd.f32 $5.000000000e-01, v22;
	v25 =	vshll.u32 v10, $0x1;
	v39 =	vld.idx.msk [tilespmem:v19+s22+$0x0], $0xffff;
	s0 =	sor.u32 $0x80, s21;
	[tilespmem:v20+s24+$0x0] =	vst.idx.msk vm2, v5  }
0x209: {  	v36 =	vor.u32 $0x80, v43;
	v32 =	vand.u32 $0xFFFFFF00, v40;
	v41 =	vld [tilespmem:s0+$0x1000];
	s31 =	rddreg [dreg:$0x11];
	v31 =	vcvt.s32.f32 v9  }
0x20a: {  	v23 =	vor.u32 $0x80, v37;
	v19 =	vor.u32 $0x80, v15;
	v29 =	vmul.f32 $6.250000000e-02, v29;
	v35 =	vld [tilespmem:s31+$0x0]  }
0x20b: {  	s30 =	sand.u32 $0x50, s1;
	v21 =	vld.idx.msk [tilespmem:v24+s22+$0x0], $0xffff;
	v14 =	vor.u32 $0x80, v11;
	[tilespmem:v37+s25+$0x0] =	vst.idx.msk vm2, v26;
	v24 =	vadd.f32 $5.000000000e-01, v31;
	v31 =	vmul.f32 $6.250000000e-02, v61  }
0x20c: {  	s1 =	sand.u32 $0x60, s9;
	v22 =	vadd.f32 $5.000000000e-01, v30;
	v27 =	vmul.f32 $6.250000000e-02, v27;
	s0 =	sor.u32 s30, s14;
	v63 =	vsub.f32 v29, v44;
	[tilespmem:v38+s23+$0x0] =	vst.idx.msk vm5, v3  }
0x20d: {  	s1 =	sor.u32 s1, s14;
	v33 =	vand.u32 $0xFFFFFF00, v60;
	v28 =	vmul.f32 $6.250000000e-02, v28;
	v30 =	vld [tilespmem:s0+$0x0];
	v26 =	vsub.f32 v31, v44;
	[tilespmem:v38+s24+$0x0] =	vst.idx.msk vm5, v5  }
0x20e: {  	v20 =	vadd.f32 $5.000000000e-01, v42;
	v29 =	vld [tilespmem:s1+$0x0];
	vm6 =	vne.s32 v9, v39;
	v31 =	vmul.f32 $6.250000000e-02, v41;
	[tilespmem:v43+s25+$0x0] =	vst.idx.msk vm5, v63  }
.LBB2_27:
0x20f: {  	v37 =	vmov s4;
	v38 =	vadd.s32 s4, v4;
	s0 =	sadd.s32 $0x10, s4;
	s6 =	sadd.s32 $0x20, s4;
	s5 =	sadd.s32 $0x30, s4;
	v35 =	vmul.f32 $6.250000000e-02, v35;
	[tilespmem:v36+s25+$0x0] =	vst.idx.msk vm5, v26  }
0x210: {  	s1 =	sand.u32 $0x40, s4;
	vm4 =	vgt.s32 v38, $0x0;
	s2 =	sand.u32 $0x50, s0;
	v26 =	vadd.s32 s0, v4;
	s0 =	sand.u32 $0x60, s6;
	v36 =	vadd.s32 s5, v4;
	[tilespmem:v23+s25+$0x0] =	vst.idx.msk vm2, v17  }
0x211: {  	v23 =	vadd.s32 s6, v4;
	v17 =	vnsel vm4, $0x0, v38;
	vm2 =	vgt.s32 v36, $0x0;
	[tilespmem:v6+s23+$0x0] =	vst.idx.msk vm1, v3  }
0x212: {  	s13 =	sadd.s32 $0x4, s13;
	vm4 =	vgt.s32 v26, $0x0;
	vm5 =	vgt.s32 v23, $0x0;
	v36 =	vnsel vm2, $0x0, v36;
	[tilespmem:v6+s24+$0x0] =	vst.idx.msk vm1, v5;
	v6 =	vmovc v16  }
0x213: {  	p1 =	slt.u32 s13, $0x7C;
	v38 =	vnsel vm4, $0x0, v26;
	v26 =	vnsel vm5, $0x0, v23;
	v23 =	vmul.f32 $6.250000000e-02, v30;
	[tilespmem:v15+s25+$0x0] =	vst.idx.msk vm1, v18  }
0x214: {  	v29 =	vmul.f32 $6.250000000e-02, v29;
	v16 =	vand.u32 $0xFFFFFF00, v25;
	v15 =	vand.u32 $0x7F, v9;
	[tilespmem:v19+s25+$0x0] =	vst.idx.msk vm1, v12  }
0x215: {  	vm4 =	veq.s32 v37, v2;
	v18 =	vand.u32 $0x7F, v6;
	v19 =	vand.u32 $0x7F, v10;
	[tilespmem:v7+s23+$0x0] =	vst.idx.msk vm0, v3  }
0x216: {  	p0 =	por !p0, !p0;
	s6 =	simm.s32 $0x1;
	vm5 =	vne.s32 v6, v21;
	vm1 =	vmor vm3, vm6;
	vm3 =	vne.s32 v10, v34;
	v37 =	vld.idx.msk [tilespmem:v17+s22+$0x0], $0xffff  }
0x217: {  	s28 =	sadd.s32 $0x2, s28;
	s3 =	sadd.s32 $0x40, s3;
	s6 =	simm.s32 @!p0 $0x0;
	v21 =	vsub.f32 v28, v20;
	v33 =	vor.u32 v15, v33;
	v12 =	vsub.f32 v27, v22;
	v25 =	vld.idx.msk [tilespmem:v36+s22+$0x0], $0xffff  }
0x218: {  	s26 =	sadd.s32 $0x4, s26;
	s7 =	sand.u32 $0x3, s28;
	s6 =	sshll.u32 s6, $0x6;
	v15 =	vor.u32 v18, v32;
	v19 =	vor.u32 v19, v16;
	v17 =	vsub.f32 v31, v24;
	v39 =	vld [tilespmem:s3+$0x10]  }
0x219: {  	s12 =	sadd.s32 $0x80, s12;
	s8 =	sand.u32 $0x7, s26;
	s7 =	sshll.u32 s7, $0x5;
	vm2 =	vlt.u32 v9, $0x2000;
	v28 =	vsub.f32 v35, v24;
	vm6 =	vlt.u32 v6, $0x2000;
	v27 =	vld [tilespmem:s3+$0xFFFFFFE0];
	[tilespmem:v7+s24+$0x0] =	vst.idx.msk vm0, v5;
	v7 =	vmovc v10  }
0x21a: {  	s9 =	sand.u32 $0xF00, s12;
	s8 =	sshll.u32 s8, $0x4;
	s7 =	sadd.s32 s12, s7;
	v18 =	vsub.f32 v23, v22;
	v16 =	vld [tilespmem:s3+$0xFFFFFFF0];
	vm7 =	vlt.u32 v7, $0x2000;
	[tilespmem:v11+s25+$0x0] =	vst.idx.msk vm0, v13;
	v13 =	vsub.f32 v29, v20  }
0x21b: {  	s5 =	sand.u32 $0x70, s5;
	s9 =	sor.u32 $0x1000, s9;
	s8 =	sadd.s32 s12, s8;
	vm2 =	vmand vm2, vm1;
	vm1 =	vmand vm6, vm5;
	v11 =	vmovc v19;
	v10 =	vld [tilespmem:s3+$0x0];
	[tilespmem:v14+s25+$0x0] =	vst.idx.msk vm0, v8;
	vm0 =	vmand vm7, vm3;
	v8 =	vmovc v21  }
0x21c: {  	s5 =	sor.u32 s5, s9;
	s10 =	sadd.s32 $0x10, s8;
	s8 =	sadd.s32 $0x30, s8;
	v23 =	vor.u32 $0x80, v33;
	v19 =	vor.u32 $0x80, v15;
	v14 =	vor.u32 $0x80, v11;
	v21 =	vld.idx.msk [tilespmem:v38+s22+$0x0], $0xffff  }
0x21d: {  	s6 =	sadd.s32 s6, s12;
	s7 =	sadd.s32 $0x20, s7;
	vm3 =	vmmov vm4;
	vm5 =	vne.s32 v39, v25;
	vm6 =	vlt.u32 v39, $0x2000;
	v20 =	vld [tilespmem:s5+$0x0];
	s5 =	sor.u32 $0x80, s8  }
0x21e: {  	s6 =	sor.u32 $0x80, s6;
	s7 =	sor.u32 $0x80, s7;
	s8 =	sor.u32 $0x80, s10;
	v22 =	vcvt.s32.f32 v27;
	v31 =	vshll.u32 v27, $0x1;
	vm5 =	vmand vm6, vm5;
	v29 =	vld [tilespmem:s5+$0x1000]  }
0x21f: {  	s1 =	sor.u32 s1, s9;
	s2 =	sor.u32 s2, s9;
	s0 =	sor.u32 s0, s9;
	v24 =	vshll.u32 v39, $0x1;
	v32 =	vld [tilespmem:s8+$0x1000];
	v34 =	vcvt.s32.f32 v16;
	v38 =	vshll.u32 v16, $0x1  }
0x220: {  	v30 =	vcvt.s32.f32 v39;
	v35 =	vand.u32 $0x7F, v39;
	v24 =	vand.u32 $0xFFFFFF00, v24;
	v40 =	vld [tilespmem:s7+$0x1000]  }
0x221: {  	v43 =	vor.u32 v35, v24;
	v42 =	vcvt.s32.f32 v10;
	v25 =	vshll.u32 v10, $0x1;
	v41 =	vld [tilespmem:s6+$0x1000];
	[tilespmem:v9+s23+$0x0] =	vst.idx.msk vm2, v3  }
.Ltmp13:
0x222: {  	v44 =	vadd.f32 $5.000000000e-01, v30;
	v36 =	vor.u32 $0x80, v43;
	v35 =	vld [tilespmem:s1+$0x0];
	v45 =	vmul.f32 $6.250000000e-02, v20;
	[tilespmem:v9+s24+$0x0] =	vst.idx.msk vm2, v5;
	v9 =	vmovc v27;
	(pc) =	sbr.rel @p1 .LBB2_27-.Ltmp13, $4  }
0x223: {  	v24 =	vadd.f32 $5.000000000e-01, v22;
	v22 =	vadd.f32 $5.000000000e-01, v34;
	v30 =	vld [tilespmem:s2+$0x0];
	v46 =	vmul.f32 $6.250000000e-02, v29;
	[tilespmem:v33+s25+$0x0] =	vst.idx.msk vm2, v28  }
0x224: {  	v20 =	vadd.f32 $5.000000000e-01, v42;
	v27 =	vmul.f32 $6.250000000e-02, v32;
	v29 =	vld [tilespmem:s0+$0x0];
	v42 =	vsub.f32 v45, v44;
	[tilespmem:v39+s23+$0x0] =	vst.idx.msk vm5, v3  }
0x225: {  	v33 =	vand.u32 $0xFFFFFF00, v31;
	v34 =	vld.idx.msk [tilespmem:v26+s22+$0x0], $0xffff;
	v28 =	vmul.f32 $6.250000000e-02, v40;
	v26 =	vsub.f32 v46, v44;
	[tilespmem:v39+s24+$0x0] =	vst.idx.msk vm5, v5  }
0x226: {  	s4 =	sadd.s32 $0x40, s4;
	vm6 =	vne.s32 v9, v37;
	v32 =	vand.u32 $0xFFFFFF00, v38;
	v31 =	vmul.f32 $6.250000000e-02, v41;
	[tilespmem:v43+s25+$0x0] =	vst.idx.msk vm5, v42  }
0x227: {  	_ =	sdelay $0x4  }
0x228: {  	[tilespmem:v36+s25+$0x0] =	vst.idx.msk vm5, v26  }
0x229: {  	[tilespmem:v23+s25+$0x0] =	vst.idx.msk vm2, v17  }
0x22a: {  	[tilespmem:v6+s23+$0x0] =	vst.idx.msk vm1, v3  }
0x22b: {  	vm10 =	vmor vm3, vm6;
	vm11 =	vlt.u32 v9, $0x2000;
	[tilespmem:v7+s23+$0x0] =	vst.idx.msk vm0, v3  }
0x22c: {  	[tilespmem:v6+s24+$0x0] =	vst.idx.msk vm1, v5;
	vm2 =	vmand vm11, vm10  }
0x22d: {  	[tilespmem:v7+s24+$0x0] =	vst.idx.msk vm0, v5  }
0x22e: {  	vm12 =	vne.s32 v16, v21;
	vm13 =	vlt.u32 v16, $0x2000;
	v6 =	vand.u32 $0x7F, v9;
	[tilespmem:v15+s25+$0x0] =	vst.idx.msk vm1, v18  }
0x22f: {  	v6 =	vor.u32 v6, v33;
	[tilespmem:v19+s25+$0x0] =	vst.idx.msk vm1, v12;
	vm1 =	vmand vm13, vm12  }
0x230: {  	v7 =	vmul.f32 $6.250000000e-02, v35;
	[tilespmem:v11+s25+$0x0] =	vst.idx.msk vm0, v13  }
0x231: {  	vm15 =	vlt.u32 v10, $0x2000;
	v56 =	vor.u32 $0x80, v6;
	[tilespmem:v14+s25+$0x0] =	vst.idx.msk vm0, v8;
	vm14 =	vne.s32 v10, v34  }
0x232: {  	v7 =	vsub.f32 v7, v24;
	vm0 =	vmand vm15, vm14;
	[tilespmem:v9+s23+$0x0] =	vst.idx.msk vm2, v3  }
0x233: {  	v57 =	vand.u32 $0x7F, v16;
	[tilespmem:v9+s24+$0x0] =	vst.idx.msk vm2, v5  }
0x234: {  	v58 =	vsub.f32 v31, v24;
	v8 =	vor.u32 v57, v32;
	[tilespmem:v6+s25+$0x0] =	vst.idx.msk vm2, v7  }
0x235: {  	v59 =	vmul.f32 $6.250000000e-02, v30;
	v60 =	vor.u32 $0x80, v8;
	[tilespmem:v16+s23+$0x0] =	vst.idx.msk vm1, v3  }
0x236: {  	[tilespmem:v56+s25+$0x0] =	vst.idx.msk vm2, v58  }
0x237: {  	v9 =	vsub.f32 v59, v22;
	[tilespmem:v16+s24+$0x0] =	vst.idx.msk vm1, v5  }
0x238: {  	v61 =	vsub.f32 v27, v22;
	v6 =	vand.u32 $0xFFFFFF00, v25;
	v7 =	vand.u32 $0x7F, v10;
	[tilespmem:v10+s23+$0x0] =	vst.idx.msk vm0, v3  }
0x239: {  	v6 =	vor.u32 v7, v6;
	[tilespmem:v8+s25+$0x0] =	vst.idx.msk vm1, v9  }
0x23a: {  	v7 =	vmul.f32 $6.250000000e-02, v29;
	v62 =	vor.u32 $0x80, v6;
	[tilespmem:v60+s25+$0x0] =	vst.idx.msk vm1, v61  }
0x23b: {  	s4 =	rddreg [dreg:$0xe]  }
0x23c: {  	v7 =	vsub.f32 v7, v20;
	s1 =	rddreg [dreg:$0xd]  }
0x23d: {  	v63 =	vsub.f32 v28, v20;
	[tilespmem:v10+s24+$0x0] =	vst.idx.msk vm0, v5;
	s0 =	sshll.u32 s4, $0xA;
	s1 =	sshll.u32 s1, $0x4  }
0x23e: {  	s0 =	sand.u32 $0xFE000, s0;
	s1 =	sand.u32 $0x70, s1;
	[tilespmem:v6+s25+$0x0] =	vst.idx.msk vm0, v7  }
0x23f: {  	s28 =	rddreg [dreg:$0x2];
	s2 =	simm.s32 $0x80;
	s0 =	sor.u32 s1, s0;
	[tilespmem:v62+s25+$0x0] =	vst.idx.msk vm0, v63  }
0x240: {  	s3 =	simm.s32 $0x400;
	s1 =	sadd.s32 s28, s0;
	s7 =	rddreg [dreg:$0xc]  }
0x241: {  	[hbm4b:s1+s2] =	stream.strided.scatter [tilespmem:s23], [sflag:$0x4], $0x2000, s3, s2, $0x38;
	[tilespmem:$0x13080] =	vst v63  }
0x242: {  	s7 =	sadd.s32 $0x1, s7  }
0x243: {  	p0 =	sne.s32 s7, $0x10  }
.Ltmp14:
0x244: {  	s29 =	rddreg [dreg:$0x3];
	(pc) =	sbr.rel @p0 .LBB2_2-.Ltmp14, $4  }
0x245: {  	s31 =	rddreg [dreg:$0x4];
	s30 =	sshll.u32 s4, $0xB;
	s0 =	sadd.s32 s29, s0  }
0x246: {  	[hbm4b:s0+s2] =	stream.strided.scatter [tilespmem:s24], [sflag:$0x6], $0x2000, s3, s2, $0x38;
	[tilespmem:$0x13080] =	vst v63  }
0x247: {  	s6 =	simm.s32 $0x0;
	s0 =	sadd.s32 s31, s30  }
0x248: {  	[hbm4b:s0+s6] =	stream.linear.scatter [tilespmem:s25], [sflag:$0x8], $0x4000, $0x38;
	[tilespmem:$0x13080] =	vst v63  }
0x249: {  	s0 =	simm.s32 $0x3  }
0x24a: {  	_ =	swait.ge [sflag:s0], $0x2000  }
0x24b: {  	[sflag:s0] =	ssyncset.done $0x0  }
0x24c: {  	s26 =	simm.s32 $0x5;
	[sflag:s0] =	ssyncadd.s32 $0xFFFFE000  }
0x24d: {  	_ =	swait.ge [sflag:s26], $0x2000  }
0x24e: {  	[sflag:s26] =	ssyncset.done $0x0  }
0x24f: {  	s28 =	simm.s32 $0x7;
	[sflag:s26] =	ssyncadd.s32 $0xFFFFE000  }
0x250: {  	_ =	swait.ge [sflag:s28], $0x4000  }
0x251: {  	[sflag:s28] =	ssyncset.done $0x0  }
0x252: {  	s29 =	simm.s32 $0x4;
	[sflag:s28] =	ssyncadd.s32 $0xFFFFC000  }
0x253: {  	_ =	swait.ge [sflag:s29], $0x2000  }
0x254: {  	[sflag:s29] =	ssyncset.done $0x0  }
0x255: {  	s30 =	simm.s32 $0x6;
	[sflag:s29] =	ssyncadd.s32 $0xFFFFE000  }
0x256: {  	_ =	swait.ge [sflag:s30], $0x2000  }
0x257: {  	[sflag:s30] =	ssyncset.done $0x0  }
0x258: {  	s1 =	simm.s32 $0x8;
	[sflag:s30] =	ssyncadd.s32 $0xFFFFE000  }
0x259: {  	_ =	swait.ge [sflag:s1], $0x4000  }
0x25a: {  	s2 =	rddreg [dreg:$0xb]  }
0x25b: {  	s31 =	rddreg [dreg:$0xa];
	s2 =	sadd.s32 $0x1, s2  }
0x25c: {  	p0 =	sne.s32 s2, s31  }
.Ltmp15:
0x25d: {  	_ = 	snop;
	(pc) =	sbr.rel @p0 .LBB2_1-.Ltmp15, $3  }
0x25e: {  	_ =	sdelay $0x1  }
0x25f: {  	[sflag:s1] =	ssyncset.done $0x0  }
0x260: {  	[sflag:s1] =	ssyncadd.s32 $0xFFFFC000  }
0x261: {  	_ =	sfence.sel $0x180000  }
0x262: {  	[bflag:$0x0] =	sbarrier.arrive $0xFFFF  }
0x263: {  	_ =	strace $0x90000047  }
0x264: {  	s0 =	stileid.u32;
	[bflag:$0x2] =	sbarrier.arrive $0xFFFF  }
0x265: {  	p0 =	sne.s32 s0, $0x0;
	s0 =	rddreg [dreg:$0x5]  }
0x266: {  	s0 =	sadd.s32 @!p0 $0x100000, s0  }
0x267: {  	[sflag:s0] =	ssyncadd.tile.s32 @!p0 $0x1;
	_ =	shalt  }
.Lfunc_end2:
_tile_overlayer_lowered:
.L_overlay_start_2:
0x268: {  	(tag) =	ssettag $0x2  }
0x269: {  	s0 =	rddreg [dreg:$0x0];
	s2 =	stileid.u32  }
0x26a: {  	s1 =	rddreg [dreg:$0x1];
	p0 =	sne.s32 s2, $0x0  }
0x26b: {  	s3 =	rddreg [dreg:$0x2];
	[bflag:$0x3] =	sbarrier.arrive $0xFFFF;
	s2 =	simm.s32 @!p0 $0x1C09  }
0x26c: {  	[timem:s3], [sflag:s2] =	dma.local @!p0 [hbm:s0], s1  }
0x26d: {  	s0 =	simm.s32 @!p0 $0x9  }
0x26e: {  	_ =	swait.ge @!p0 [sflag:s0], s1  }
0x26f: {  	s1 =	ssub.s32 @!p0 $0x0, s1;
	[sflag:s0] =	ssyncset.done @!p0 $0x0  }
0x270: {  	[sflag:s0] =	ssyncadd.s32 @!p0 s1  }
0x271: {  	[bflag:$0x3] =	sbarrier.arrive $0xFFFF  }
0x272: {  	_ =	shalt  }

</sc_bundles>
